<compile_context>
chip_gen: v7x
topology: tpu7x:2x2x1
jax: 0.10.2.dev20260603
libtpu: 0.0.44.dev20260713+nightly
codegen_flags: <defaults>
</compile_context>

<pallas_src>
import functools

import jax
import jax.numpy as jnp
from jax import lax
from jax.experimental import pallas as pl
from jax.experimental.pallas import tpu as pltpu
from jax.experimental.pallas import tpu_sc as plsc

_N_NODES = 10000
_ROW = 128
_NUM_TOK = 16
_TOK = 8
_EMB_ROWS = 256
_EMB_DIM = 8
_NW = 32
_SPAN = 314
_STRIDE = -(-_N_NODES // _NW)
_HALF = _SPAN // 2
_HALFW = _HALF * _ROW
_SPANW = _SPAN * _ROW
_CODES = _SPAN * _NUM_TOK

_mesh = plsc.VectorSubcoreMesh(core_axis_name="c", subcore_axis_name="s")


@functools.partial(
    pl.kernel,
    out_type=jax.ShapeDtypeStruct((_N_NODES * _ROW,), jnp.float32),
    mesh=_mesh,
    compiler_params=pltpu.CompilerParams(
        needs_layout_passes=False, use_tc_tiling_on_sc=False,
        skip_device_barrier=True, disable_bounds_checks=True,
        disable_semaphore_checks=True),
    scratch_types=[
        pltpu.VMEM((_SPANW,), jnp.int32),
        pltpu.VMEM((2048,), jnp.float32),
        pltpu.VMEM((_CODES,), jnp.int32),
        pltpu.VMEM((_SPANW,), jnp.float32),
        pltpu.SemaphoreType.DMA,
        pltpu.SemaphoreType.DMA,
    ],
)
def _node_emb(x_hbm, emb_hbm, out_hbm, xv, embv, codesv, outv, isem, osem):
    wid = lax.axis_index("s") * 2 + lax.axis_index("c")
    start = jnp.minimum(wid * _STRIDE, _N_NODES - _SPAN)
    xbase = start * _ROW

    lanes = lax.iota(jnp.int32, 16)
    col_base = lanes * _TOK
    epat = lanes & 7
    pair_base = lanes >> 3

    in1 = pltpu.async_copy(x_hbm.at[pl.ds(xbase, _HALFW)], xv.at[pl.ds(0, _HALFW)], isem)
    in2 = pltpu.async_copy(
        x_hbm.at[pl.ds(xbase + _HALFW, _HALFW)],
        xv.at[pl.ds(_HALFW, _HALFW)], isem)
    pltpu.sync_copy(emb_hbm, embv)

    def pack_node(n):
        nbase = col_base + n * _ROW
        codes = plsc.load_gather(xv, [nbase])
        for b in range(1, _TOK):
            plane = plsc.load_gather(xv, [nbase + b])
            codes = codes + (plane << b)
        codesv[pl.ds(n * _NUM_TOK, _NUM_TOK)] = codes

    def expand_node(n):
        cbase = n * _NUM_TOK + pair_base
        cpairs = [plsc.load_gather(codesv, [cbase + 2 * v])
                  for v in range(_ROW // 16)]
        vals = [plsc.load_gather(embv, [(c << 3) + epat]) for c in cpairs]
        for v, val in enumerate(vals):
            outv[pl.ds(n * _ROW + v * 16, 16)] = val

    in1.wait()
    plsc.parallel_loop(0, _HALF, unroll=2)(pack_node)
    plsc.parallel_loop(0, _HALF, unroll=2)(expand_node)
    out1 = pltpu.async_copy(
        outv.at[pl.ds(0, _HALFW)], out_hbm.at[pl.ds(xbase, _HALFW)], osem)

    in2.wait()
    plsc.parallel_loop(_HALF, _SPAN, unroll=2)(pack_node)
    plsc.parallel_loop(_HALF, _SPAN, unroll=2)(expand_node)
    pltpu.sync_copy(
        outv.at[pl.ds(_HALFW, _HALFW)],
        out_hbm.at[pl.ds(xbase + _HALFW, _HALFW)])
    out1.wait()


def kernel(x, edge_index, emb_table):
    node_flat = _node_emb(
        x.reshape(-1).astype(jnp.int32), emb_table.reshape(-1))
    node_vec = node_flat.reshape(_N_NODES, _ROW)
    edge_vec = jnp.zeros((edge_index.shape[-1], _ROW), dtype=jnp.float32)
    return (node_vec, edge_index, edge_vec)

# --- scband reference (transcript-rebuilt; emitter-appended) ---
"""Pipeline reference for scband-py-gdata-input-layer-83708912599711 (READ-ONLY COPY).

The authoritative reference and input builder live on the scoring server;
editing this copy changes nothing except your own understanding.
"""

import jax, jax.numpy as jnp
import numpy as np

TOKEN_SIZE = 8
BITVEC_DIM = 128
NUM_TOKENS = BITVEC_DIM // TOKEN_SIZE  # 16
NODE_EMB_SIZE = 128
TOKEN_EMB_SIZE = NODE_EMB_SIZE // NUM_TOKENS  # 8
EDGE_EMB_SIZE = 128
N_NODES = 10000
N_EDGES = 320000


def setup_inputs(seed: int = 0) -> dict:
    key = jax.random.key(seed)
    k1, k2, k3 = jax.random.split(key, 3)
    # node features are bit-vectors (0/1)
    x = jax.random.randint(k1, (N_NODES, BITVEC_DIM), 0, 2)
    edge_index = jax.random.randint(k2, (2, N_EDGES), 0, N_NODES)
    # nn.Embedding(2**token_size, token_embedding_size) weight
    emb_table = jax.random.normal(k3, (2 ** TOKEN_SIZE, TOKEN_EMB_SIZE), dtype=jnp.float32)
    return {"x": x, "edge_index": edge_index, "emb_table": emb_table}


def reference(x, edge_index, emb_table):
    # BitVecEmbedding.forward
    N = x.shape[0]
    xb = x.reshape(N, NUM_TOKENS, TOKEN_SIZE)
    # encode_bits: little-endian bit packing into token ids in [0, 2**token_size)
    weights = (2 ** jnp.arange(TOKEN_SIZE)).astype(xb.dtype)
    codes = jnp.sum(xb * weights, axis=-1)  # [N, NUM_TOKENS]
    node_vec = jnp.take(emb_table, codes, axis=0)  # [N, NUM_TOKENS, TOKEN_EMB_SIZE]
    node_vec = node_vec.reshape(N, -1)  # [N, NODE_EMB_SIZE]
    # edge_embedding_type == 'None' -> default zero rep vector
    edge_vec = jnp.zeros((edge_index.shape[-1], EDGE_EMB_SIZE), dtype=jnp.float32)
    return (node_vec, edge_index, edge_vec)

if __name__ == "__main__":
    import jax
    _d = setup_inputs()
    print(jax.jit(kernel)(*tuple(_d.values())))

</pallas_src>

<mosaic_0001>
#map = affine_map<(d0, d1) -> (0)>
module attributes {stable_mosaic.version = 14 : i64} {
  func.func @_node_emb(%arg0: i32, %arg1: i32, %arg2: memref<1280000xi32, #tpu.memory_space<hbm>>, %arg3: memref<2048xf32, #tpu.memory_space<hbm>>, %arg4: memref<1280000xf32, #tpu.memory_space<hbm>>, %arg5: memref<40192xi32, #tpu.memory_space<vmem>>, %arg6: memref<2048xf32, #tpu.memory_space<vmem>>, %arg7: memref<5024xi32, #tpu.memory_space<vmem>>, %arg8: memref<40192xf32, #tpu.memory_space<vmem>>, %arg9: memref<!tpu.dma_semaphore, #tpu.memory_space<semaphore_mem>>, %arg10: memref<!tpu.dma_semaphore, #tpu.memory_space<semaphore_mem>>) attributes {dimension_semantics = [#tpu.dimension_semantics<core_parallel>, #tpu.dimension_semantics<subcore_parallel>], iteration_bounds = array<i64: 2, 16>, scalar_prefetch = 0 : i64, scratch_operands = 6 : i64, tpu.core_type = #tpu.core_type<sc_vector_subcore>, window_params = [{transform_indices = #map}, {transform_indices = #map}, {transform_indices = #map}]} {
    %mul3A = arith.constant 2 : i32
    %mul3A_0 = arith.muli %arg1, %mul3A : i32
    %add3A = arith.addi %mul3A_0, %arg0 : i32
    %mul3A_1 = arith.constant 313 : i32
    %mul3A_2 = arith.muli %add3A, %mul3A_1 : i32
    %min3A = arith.constant 9686 : i32
    %min3A_3 = arith.minsi %mul3A_2, %min3A : i32
    %mul3A_4 = arith.constant 128 : i32
    %mul3A_5 = arith.muli %min3A_3, %mul3A_4 : i32
    %iota3A = tpu.iota {dimensions = array<i32: 0>} : vector<16xi32>
    %mul3A_6 = arith.constant 8 : i32
    %mul3A_7 = vector.broadcast %mul3A_6 : i32 to vector<16xi32>
    %mul3A_8 = arith.muli %iota3A, %mul3A_7 : vector<16xi32>
    %and3A = arith.constant 7 : i32
    %and3A_9 = vector.broadcast %and3A : i32 to vector<16xi32>
    %and3A_10 = arith.andi %iota3A, %and3A_9 : vector<16xi32>
    %shift_right_arithmetic3A = arith.constant 3 : i32
    %shift_right_arithmetic3A_11 = vector.broadcast %shift_right_arithmetic3A : i32 to vector<16xi32>
    %shift_right_arithmetic3A_12 = arith.shrsi %iota3A, %shift_right_arithmetic3A_11 : vector<16xi32>
    %dma_start3A = arith.constant 0 : i32
    %dma_start3A_13 = tpu.memref_slice %arg5[%dma_start3A] : memref<40192xi32, #tpu.memory_space<vmem>> -> memref<20096xi32, #tpu.memory_space<vmem>>
    %dma_start3A_14 = tpu.memref_slice %arg2[%mul3A_5] : memref<1280000xi32, #tpu.memory_space<hbm>> -> memref<20096xi32, #tpu.memory_space<hbm>>
    %dma_start3A_15 = arith.constant 0 : i32
    %dma_start3A_16 = tpu.memref_slice %arg5[%dma_start3A_15] : memref<40192xi32, #tpu.memory_space<vmem>> -> memref<20096xi32, #tpu.memory_space<vmem>>
    %dma_start3A_17 = tpu.memref_slice %arg2[%mul3A_5] : memref<1280000xi32, #tpu.memory_space<hbm>> -> memref<20096xi32, #tpu.memory_space<hbm>>
    tpu.enqueue_dma source(%dma_start3A_17 : memref<20096xi32, #tpu.memory_space<hbm>>) target(%dma_start3A_16 : memref<20096xi32, #tpu.memory_space<vmem>>) target_semaphore(%arg9 : memref<!tpu.dma_semaphore, #tpu.memory_space<semaphore_mem>>)
    %add3A_18 = arith.constant 20096 : i32
    %add3A_19 = arith.addi %mul3A_5, %add3A_18 : i32
    %dma_start3A_20 = arith.constant 20096 : i32
    %dma_start3A_21 = tpu.memref_slice %arg5[%dma_start3A_20] : memref<40192xi32, #tpu.memory_space<vmem>> -> memref<20096xi32, #tpu.memory_space<vmem>>
    %dma_start3A_22 = tpu.memref_slice %arg2[%add3A_19] : memref<1280000xi32, #tpu.memory_space<hbm>> -> memref<20096xi32, #tpu.memory_space<hbm>>
    %dma_start3A_23 = arith.constant 20096 : i32
    %dma_start3A_24 = tpu.memref_slice %arg5[%dma_start3A_23] : memref<40192xi32, #tpu.memory_space<vmem>> -> memref<20096xi32, #tpu.memory_space<vmem>>
    %dma_start3A_25 = tpu.memref_slice %arg2[%add3A_19] : memref<1280000xi32, #tpu.memory_space<hbm>> -> memref<20096xi32, #tpu.memory_space<hbm>>
    tpu.enqueue_dma source(%dma_start3A_25 : memref<20096xi32, #tpu.memory_space<hbm>>) target(%dma_start3A_24 : memref<20096xi32, #tpu.memory_space<vmem>>) target_semaphore(%arg9 : memref<!tpu.dma_semaphore, #tpu.memory_space<semaphore_mem>>)
    "tpu.region"() ({
      %run_scoped3A = tpu.sem_alloc : memref<!tpu.dma_semaphore, #tpu.memory_space<semaphore_mem>>
      tpu.enqueue_dma source(%arg3 : memref<2048xf32, #tpu.memory_space<hbm>>) target(%arg6 : memref<2048xf32, #tpu.memory_space<vmem>>) target_semaphore(%run_scoped3A : memref<!tpu.dma_semaphore, #tpu.memory_space<semaphore_mem>>)
      tpu.wait_dma2 semaphore(%run_scoped3A : memref<!tpu.dma_semaphore, #tpu.memory_space<semaphore_mem>>) src(%arg3 : memref<2048xf32, #tpu.memory_space<hbm>>) dst(%arg6 : memref<2048xf32, #tpu.memory_space<vmem>>)
      tpu.yield
    }) : () -> ()
    %dma_wait3A = arith.constant 0 : i32
    %dma_wait3A_26 = tpu.memref_slice %arg5[%dma_wait3A] : memref<40192xi32, #tpu.memory_space<vmem>> -> memref<20096xi32, #tpu.memory_space<vmem>>
    %dma_wait3A_27 = tpu.memref_slice %arg2[%mul3A_5] : memref<1280000xi32, #tpu.memory_space<hbm>> -> memref<20096xi32, #tpu.memory_space<hbm>>
    %dma_wait3A_28 = arith.constant 0 : i32
    %dma_wait3A_29 = tpu.memref_slice %arg5[%dma_wait3A_28] : memref<40192xi32, #tpu.memory_space<vmem>> -> memref<20096xi32, #tpu.memory_space<vmem>>
    %dma_wait3A_30 = tpu.memref_slice %arg2[%mul3A_5] : memref<1280000xi32, #tpu.memory_space<hbm>> -> memref<20096xi32, #tpu.memory_space<hbm>>
    tpu.wait_dma2 semaphore(%arg9 : memref<!tpu.dma_semaphore, #tpu.memory_space<semaphore_mem>>) src(%dma_wait3A_30 : memref<20096xi32, #tpu.memory_space<hbm>>) dst(%dma_wait3A_29 : memref<20096xi32, #tpu.memory_space<vmem>>)
    %parallel_loop3A = arith.constant 0 : i32
    %parallel_loop3A_31 = arith.constant 157 : i32
    %parallel_loop3A_32 = arith.constant 1 : i32
    scf.for %parallel_loop3A_62 = %parallel_loop3A to %parallel_loop3A_31 step %parallel_loop3A_32  : i32 {
      %parallel_loop3A_63 = arith.constant 128 : i32
      %parallel_loop3A_64 = arith.muli %parallel_loop3A_62, %parallel_loop3A_63 : i32
      %parallel_loop3A_65 = vector.broadcast %parallel_loop3A_64 : i32 to vector<16xi32>
      %parallel_loop3A_66 = arith.addi %mul3A_8, %parallel_loop3A_65 : vector<16xi32>
      %parallel_loop3A_67 = tpu.vector_load_idx %arg5[%parallel_loop3A_66] : memref<40192xi32, #tpu.memory_space<vmem>>[vector<16xi32>], vector<16xi32>,
      %parallel_loop3A_68 = arith.constant 1 : i32
      %parallel_loop3A_69 = vector.broadcast %parallel_loop3A_68 : i32 to vector<16xi32>
      %parallel_loop3A_70 = arith.addi %parallel_loop3A_66, %parallel_loop3A_69 : vector<16xi32>
      %parallel_loop3A_71 = tpu.vector_load_idx %arg5[%parallel_loop3A_70] : memref<40192xi32, #tpu.memory_space<vmem>>[vector<16xi32>], vector<16xi32>,
      %parallel_loop3A_72 = arith.constant 1 : i32
      %parallel_loop3A_73 = vector.broadcast %parallel_loop3A_72 : i32 to vector<16xi32>
      %parallel_loop3A_74 = arith.shli %parallel_loop3A_71, %parallel_loop3A_73 : vector<16xi32>
      %parallel_loop3A_75 = arith.addi %parallel_loop3A_67, %parallel_loop3A_74 : vector<16xi32>
      %parallel_loop3A_76 = arith.constant 2 : i32
      %parallel_loop3A_77 = vector.broadcast %parallel_loop3A_76 : i32 to vector<16xi32>
      %parallel_loop3A_78 = arith.addi %parallel_loop3A_66, %parallel_loop3A_77 : vector<16xi32>
      %parallel_loop3A_79 = tpu.vector_load_idx %arg5[%parallel_loop3A_78] : memref<40192xi32, #tpu.memory_space<vmem>>[vector<16xi32>], vector<16xi32>,
      %parallel_loop3A_80 = arith.constant 2 : i32
      %parallel_loop3A_81 = vector.broadcast %parallel_loop3A_80 : i32 to vector<16xi32>
      %parallel_loop3A_82 = arith.shli %parallel_loop3A_79, %parallel_loop3A_81 : vector<16xi32>
      %parallel_loop3A_83 = arith.addi %parallel_loop3A_75, %parallel_loop3A_82 : vector<16xi32>
      %parallel_loop3A_84 = arith.constant 3 : i32
      %parallel_loop3A_85 = vector.broadcast %parallel_loop3A_84 : i32 to vector<16xi32>
      %parallel_loop3A_86 = arith.addi %parallel_loop3A_66, %parallel_loop3A_85 : vector<16xi32>
      %parallel_loop3A_87 = tpu.vector_load_idx %arg5[%parallel_loop3A_86] : memref<40192xi32, #tpu.memory_space<vmem>>[vector<16xi32>], vector<16xi32>,
      %parallel_loop3A_88 = arith.constant 3 : i32
      %parallel_loop3A_89 = vector.broadcast %parallel_loop3A_88 : i32 to vector<16xi32>
      %parallel_loop3A_90 = arith.shli %parallel_loop3A_87, %parallel_loop3A_89 : vector<16xi32>
      %parallel_loop3A_91 = arith.addi %parallel_loop3A_83, %parallel_loop3A_90 : vector<16xi32>
      %parallel_loop3A_92 = arith.constant 4 : i32
      %parallel_loop3A_93 = vector.broadcast %parallel_loop3A_92 : i32 to vector<16xi32>
      %parallel_loop3A_94 = arith.addi %parallel_loop3A_66, %parallel_loop3A_93 : vector<16xi32>
      %parallel_loop3A_95 = tpu.vector_load_idx %arg5[%parallel_loop3A_94] : memref<40192xi32, #tpu.memory_space<vmem>>[vector<16xi32>], vector<16xi32>,
      %parallel_loop3A_96 = arith.constant 4 : i32
      %parallel_loop3A_97 = vector.broadcast %parallel_loop3A_96 : i32 to vector<16xi32>
      %parallel_loop3A_98 = arith.shli %parallel_loop3A_95, %parallel_loop3A_97 : vector<16xi32>
      %parallel_loop3A_99 = arith.addi %parallel_loop3A_91, %parallel_loop3A_98 : vector<16xi32>
      %parallel_loop3A_100 = arith.constant 5 : i32
      %parallel_loop3A_101 = vector.broadcast %parallel_loop3A_100 : i32 to vector<16xi32>
      %parallel_loop3A_102 = arith.addi %parallel_loop3A_66, %parallel_loop3A_101 : vector<16xi32>
      %parallel_loop3A_103 = tpu.vector_load_idx %arg5[%parallel_loop3A_102] : memref<40192xi32, #tpu.memory_space<vmem>>[vector<16xi32>], vector<16xi32>,
      %parallel_loop3A_104 = arith.constant 5 : i32
      %parallel_loop3A_105 = vector.broadcast %parallel_loop3A_104 : i32 to vector<16xi32>
      %parallel_loop3A_106 = arith.shli %parallel_loop3A_103, %parallel_loop3A_105 : vector<16xi32>
      %parallel_loop3A_107 = arith.addi %parallel_loop3A_99, %parallel_loop3A_106 : vector<16xi32>
      %parallel_loop3A_108 = arith.constant 6 : i32
      %parallel_loop3A_109 = vector.broadcast %parallel_loop3A_108 : i32 to vector<16xi32>
      %parallel_loop3A_110 = arith.addi %parallel_loop3A_66, %parallel_loop3A_109 : vector<16xi32>
      %parallel_loop3A_111 = tpu.vector_load_idx %arg5[%parallel_loop3A_110] : memref<40192xi32, #tpu.memory_space<vmem>>[vector<16xi32>], vector<16xi32>,
      %parallel_loop3A_112 = arith.constant 6 : i32
      %parallel_loop3A_113 = vector.broadcast %parallel_loop3A_112 : i32 to vector<16xi32>
      %parallel_loop3A_114 = arith.shli %parallel_loop3A_111, %parallel_loop3A_113 : vector<16xi32>
      %parallel_loop3A_115 = arith.addi %parallel_loop3A_107, %parallel_loop3A_114 : vector<16xi32>
      %parallel_loop3A_116 = arith.constant 7 : i32
      %parallel_loop3A_117 = vector.broadcast %parallel_loop3A_116 : i32 to vector<16xi32>
      %parallel_loop3A_118 = arith.addi %parallel_loop3A_66, %parallel_loop3A_117 : vector<16xi32>
      %parallel_loop3A_119 = tpu.vector_load_idx %arg5[%parallel_loop3A_118] : memref<40192xi32, #tpu.memory_space<vmem>>[vector<16xi32>], vector<16xi32>,
      %parallel_loop3A_120 = arith.constant 7 : i32
      %parallel_loop3A_121 = vector.broadcast %parallel_loop3A_120 : i32 to vector<16xi32>
      %parallel_loop3A_122 = arith.shli %parallel_loop3A_119, %parallel_loop3A_121 : vector<16xi32>
      %parallel_loop3A_123 = arith.addi %parallel_loop3A_115, %parallel_loop3A_122 : vector<16xi32>
      %parallel_loop3A_124 = arith.constant 16 : i32
      %parallel_loop3A_125 = arith.muli %parallel_loop3A_62, %parallel_loop3A_124 : i32
      %parallel_loop3A_126 = arith.index_cast %parallel_loop3A_125 : i32 to index
      %parallel_loop3A_127 = tpu.vector_load %arg7[%parallel_loop3A_126] {strides = array<i32>} : memref<5024xi32, #tpu.memory_space<vmem>>, vector<16xi32>,
      tpu.vector_store %arg7[%parallel_loop3A_126], %parallel_loop3A_123 {strides = array<i32>} : memref<5024xi32, #tpu.memory_space<vmem>>, vector<16xi32>,
    } {sc.loop_unroll_factor = 2 : i64, sc.parallel_access}
    %parallel_loop3A_33 = arith.constant 0 : i32
    %parallel_loop3A_34 = arith.constant 157 : i32
    %parallel_loop3A_35 = arith.constant 1 : i32
    scf.for %parallel_loop3A_62 = %parallel_loop3A_33 to %parallel_loop3A_34 step %parallel_loop3A_35  : i32 {
      %parallel_loop3A_63 = arith.constant 16 : i32
      %parallel_loop3A_64 = arith.muli %parallel_loop3A_62, %parallel_loop3A_63 : i32
      %parallel_loop3A_65 = vector.broadcast %parallel_loop3A_64 : i32 to vector<16xi32>
      %parallel_loop3A_66 = arith.addi %parallel_loop3A_65, %shift_right_arithmetic3A_12 : vector<16xi32>
      %parallel_loop3A_67 = arith.constant 0 : i32
      %parallel_loop3A_68 = vector.broadcast %parallel_loop3A_67 : i32 to vector<16xi32>
      %parallel_loop3A_69 = arith.addi %parallel_loop3A_66, %parallel_loop3A_68 : vector<16xi32>
      %parallel_loop3A_70 = tpu.vector_load_idx %arg7[%parallel_loop3A_69] : memref<5024xi32, #tpu.memory_space<vmem>>[vector<16xi32>], vector<16xi32>,
      %parallel_loop3A_71 = arith.constant 2 : i32
      %parallel_loop3A_72 = vector.broadcast %parallel_loop3A_71 : i32 to vector<16xi32>
      %parallel_loop3A_73 = arith.addi %parallel_loop3A_66, %parallel_loop3A_72 : vector<16xi32>
      %parallel_loop3A_74 = tpu.vector_load_idx %arg7[%parallel_loop3A_73] : memref<5024xi32, #tpu.memory_space<vmem>>[vector<16xi32>], vector<16xi32>,
      %parallel_loop3A_75 = arith.constant 4 : i32
      %parallel_loop3A_76 = vector.broadcast %parallel_loop3A_75 : i32 to vector<16xi32>
      %parallel_loop3A_77 = arith.addi %parallel_loop3A_66, %parallel_loop3A_76 : vector<16xi32>
      %parallel_loop3A_78 = tpu.vector_load_idx %arg7[%parallel_loop3A_77] : memref<5024xi32, #tpu.memory_space<vmem>>[vector<16xi32>], vector<16xi32>,
      %parallel_loop3A_79 = arith.constant 6 : i32
      %parallel_loop3A_80 = vector.broadcast %parallel_loop3A_79 : i32 to vector<16xi32>
      %parallel_loop3A_81 = arith.addi %parallel_loop3A_66, %parallel_loop3A_80 : vector<16xi32>
      %parallel_loop3A_82 = tpu.vector_load_idx %arg7[%parallel_loop3A_81] : memref<5024xi32, #tpu.memory_space<vmem>>[vector<16xi32>], vector<16xi32>,
      %parallel_loop3A_83 = arith.constant 8 : i32
      %parallel_loop3A_84 = vector.broadcast %parallel_loop3A_83 : i32 to vector<16xi32>
      %parallel_loop3A_85 = arith.addi %parallel_loop3A_66, %parallel_loop3A_84 : vector<16xi32>
      %parallel_loop3A_86 = tpu.vector_load_idx %arg7[%parallel_loop3A_85] : memref<5024xi32, #tpu.memory_space<vmem>>[vector<16xi32>], vector<16xi32>,
      %parallel_loop3A_87 = arith.constant 10 : i32
      %parallel_loop3A_88 = vector.broadcast %parallel_loop3A_87 : i32 to vector<16xi32>
      %parallel_loop3A_89 = arith.addi %parallel_loop3A_66, %parallel_loop3A_88 : vector<16xi32>
      %parallel_loop3A_90 = tpu.vector_load_idx %arg7[%parallel_loop3A_89] : memref<5024xi32, #tpu.memory_space<vmem>>[vector<16xi32>], vector<16xi32>,
      %parallel_loop3A_91 = arith.constant 12 : i32
      %parallel_loop3A_92 = vector.broadcast %parallel_loop3A_91 : i32 to vector<16xi32>
      %parallel_loop3A_93 = arith.addi %parallel_loop3A_66, %parallel_loop3A_92 : vector<16xi32>
      %parallel_loop3A_94 = tpu.vector_load_idx %arg7[%parallel_loop3A_93] : memref<5024xi32, #tpu.memory_space<vmem>>[vector<16xi32>], vector<16xi32>,
      %parallel_loop3A_95 = arith.constant 14 : i32
      %parallel_loop3A_96 = vector.broadcast %parallel_loop3A_95 : i32 to vector<16xi32>
      %parallel_loop3A_97 = arith.addi %parallel_loop3A_66, %parallel_loop3A_96 : vector<16xi32>
      %parallel_loop3A_98 = tpu.vector_load_idx %arg7[%parallel_loop3A_97] : memref<5024xi32, #tpu.memory_space<vmem>>[vector<16xi32>], vector<16xi32>,
      %parallel_loop3A_99 = arith.constant 3 : i32
      %parallel_loop3A_100 = vector.broadcast %parallel_loop3A_99 : i32 to vector<16xi32>
      %parallel_loop3A_101 = arith.shli %parallel_loop3A_70, %parallel_loop3A_100 : vector<16xi32>
      %parallel_loop3A_102 = arith.addi %parallel_loop3A_101, %and3A_10 : vector<16xi32>
      %parallel_loop3A_103 = tpu.vector_load_idx %arg6[%parallel_loop3A_102] : memref<2048xf32, #tpu.memory_space<vmem>>[vector<16xi32>], vector<16xf32>,
      %parallel_loop3A_104 = arith.constant 3 : i32
      %parallel_loop3A_105 = vector.broadcast %parallel_loop3A_104 : i32 to vector<16xi32>
      %parallel_loop3A_106 = arith.shli %parallel_loop3A_74, %parallel_loop3A_105 : vector<16xi32>
      %parallel_loop3A_107 = arith.addi %parallel_loop3A_106, %and3A_10 : vector<16xi32>
      %parallel_loop3A_108 = tpu.vector_load_idx %arg6[%parallel_loop3A_107] : memref<2048xf32, #tpu.memory_space<vmem>>[vector<16xi32>], vector<16xf32>,
      %parallel_loop3A_109 = arith.constant 3 : i32
      %parallel_loop3A_110 = vector.broadcast %parallel_loop3A_109 : i32 to vector<16xi32>
      %parallel_loop3A_111 = arith.shli %parallel_loop3A_78, %parallel_loop3A_110 : vector<16xi32>
      %parallel_loop3A_112 = arith.addi %parallel_loop3A_111, %and3A_10 : vector<16xi32>
      %parallel_loop3A_113 = tpu.vector_load_idx %arg6[%parallel_loop3A_112] : memref<2048xf32, #tpu.memory_space<vmem>>[vector<16xi32>], vector<16xf32>,
      %parallel_loop3A_114 = arith.constant 3 : i32
      %parallel_loop3A_115 = vector.broadcast %parallel_loop3A_114 : i32 to vector<16xi32>
      %parallel_loop3A_116 = arith.shli %parallel_loop3A_82, %parallel_loop3A_115 : vector<16xi32>
      %parallel_loop3A_117 = arith.addi %parallel_loop3A_116, %and3A_10 : vector<16xi32>
      %parallel_loop3A_118 = tpu.vector_load_idx %arg6[%parallel_loop3A_117] : memref<2048xf32, #tpu.memory_space<vmem>>[vector<16xi32>], vector<16xf32>,
      %parallel_loop3A_119 = arith.constant 3 : i32
      %parallel_loop3A_120 = vector.broadcast %parallel_loop3A_119 : i32 to vector<16xi32>
      %parallel_loop3A_121 = arith.shli %parallel_loop3A_86, %parallel_loop3A_120 : vector<16xi32>
      %parallel_loop3A_122 = arith.addi %parallel_loop3A_121, %and3A_10 : vector<16xi32>
      %parallel_loop3A_123 = tpu.vector_load_idx %arg6[%parallel_loop3A_122] : memref<2048xf32, #tpu.memory_space<vmem>>[vector<16xi32>], vector<16xf32>,
      %parallel_loop3A_124 = arith.constant 3 : i32
      %parallel_loop3A_125 = vector.broadcast %parallel_loop3A_124 : i32 to vector<16xi32>
      %parallel_loop3A_126 = arith.shli %parallel_loop3A_90, %parallel_loop3A_125 : vector<16xi32>
      %parallel_loop3A_127 = arith.addi %parallel_loop3A_126, %and3A_10 : vector<16xi32>
      %parallel_loop3A_128 = tpu.vector_load_idx %arg6[%parallel_loop3A_127] : memref<2048xf32, #tpu.memory_space<vmem>>[vector<16xi32>], vector<16xf32>,
      %parallel_loop3A_129 = arith.constant 3 : i32
      %parallel_loop3A_130 = vector.broadcast %parallel_loop3A_129 : i32 to vector<16xi32>
      %parallel_loop3A_131 = arith.shli %parallel_loop3A_94, %parallel_loop3A_130 : vector<16xi32>
      %parallel_loop3A_132 = arith.addi %parallel_loop3A_131, %and3A_10 : vector<16xi32>
      %parallel_loop3A_133 = tpu.vector_load_idx %arg6[%parallel_loop3A_132] : memref<2048xf32, #tpu.memory_space<vmem>>[vector<16xi32>], vector<16xf32>,
      %parallel_loop3A_134 = arith.constant 3 : i32
      %parallel_loop3A_135 = vector.broadcast %parallel_loop3A_134 : i32 to vector<16xi32>
      %parallel_loop3A_136 = arith.shli %parallel_loop3A_98, %parallel_loop3A_135 : vector<16xi32>
      %parallel_loop3A_137 = arith.addi %parallel_loop3A_136, %and3A_10 : vector<16xi32>
      %parallel_loop3A_138 = tpu.vector_load_idx %arg6[%parallel_loop3A_137] : memref<2048xf32, #tpu.memory_space<vmem>>[vector<16xi32>], vector<16xf32>,
      %parallel_loop3A_139 = arith.constant 128 : i32
      %parallel_loop3A_140 = arith.muli %parallel_loop3A_62, %parallel_loop3A_139 : i32
      %parallel_loop3A_141 = arith.constant 0 : i32
      %parallel_loop3A_142 = arith.addi %parallel_loop3A_140, %parallel_loop3A_141 : i32
      %parallel_loop3A_143 = arith.index_cast %parallel_loop3A_142 : i32 to index
      %parallel_loop3A_144 = tpu.vector_load %arg8[%parallel_loop3A_143] {strides = array<i32>} : memref<40192xf32, #tpu.memory_space<vmem>>, vector<16xf32>,
      tpu.vector_store %arg8[%parallel_loop3A_143], %parallel_loop3A_103 {strides = array<i32>} : memref<40192xf32, #tpu.memory_space<vmem>>, vector<16xf32>,
      %parallel_loop3A_145 = arith.constant 128 : i32
      %parallel_loop3A_146 = arith.muli %parallel_loop3A_62, %parallel_loop3A_145 : i32
      %parallel_loop3A_147 = arith.constant 16 : i32
      %parallel_loop3A_148 = arith.addi %parallel_loop3A_146, %parallel_loop3A_147 : i32
      %parallel_loop3A_149 = arith.index_cast %parallel_loop3A_148 : i32 to index
      %parallel_loop3A_150 = tpu.vector_load %arg8[%parallel_loop3A_149] {strides = array<i32>} : memref<40192xf32, #tpu.memory_space<vmem>>, vector<16xf32>,
      tpu.vector_store %arg8[%parallel_loop3A_149], %parallel_loop3A_108 {strides = array<i32>} : memref<40192xf32, #tpu.memory_space<vmem>>, vector<16xf32>,
      %parallel_loop3A_151 = arith.constant 128 : i32
      %parallel_loop3A_152 = arith.muli %parallel_loop3A_62, %parallel_loop3A_151 : i32
      %parallel_loop3A_153 = arith.constant 32 : i32
      %parallel_loop3A_154 = arith.addi %parallel_loop3A_152, %parallel_loop3A_153 : i32
      %parallel_loop3A_155 = arith.index_cast %parallel_loop3A_154 : i32 to index
      %parallel_loop3A_156 = tpu.vector_load %arg8[%parallel_loop3A_155] {strides = array<i32>} : memref<40192xf32, #tpu.memory_space<vmem>>, vector<16xf32>,
      tpu.vector_store %arg8[%parallel_loop3A_155], %parallel_loop3A_113 {strides = array<i32>} : memref<40192xf32, #tpu.memory_space<vmem>>, vector<16xf32>,
      %parallel_loop3A_157 = arith.constant 128 : i32
      %parallel_loop3A_158 = arith.muli %parallel_loop3A_62, %parallel_loop3A_157 : i32
      %parallel_loop3A_159 = arith.constant 48 : i32
      %parallel_loop3A_160 = arith.addi %parallel_loop3A_158, %parallel_loop3A_159 : i32
      %parallel_loop3A_161 = arith.index_cast %parallel_loop3A_160 : i32 to index
      %parallel_loop3A_162 = tpu.vector_load %arg8[%parallel_loop3A_161] {strides = array<i32>} : memref<40192xf32, #tpu.memory_space<vmem>>, vector<16xf32>,
      tpu.vector_store %arg8[%parallel_loop3A_161], %parallel_loop3A_118 {strides = array<i32>} : memref<40192xf32, #tpu.memory_space<vmem>>, vector<16xf32>,
      %parallel_loop3A_163 = arith.constant 128 : i32
      %parallel_loop3A_164 = arith.muli %parallel_loop3A_62, %parallel_loop3A_163 : i32
      %parallel_loop3A_165 = arith.constant 64 : i32
      %parallel_loop3A_166 = arith.addi %parallel_loop3A_164, %parallel_loop3A_165 : i32
      %parallel_loop3A_167 = arith.index_cast %parallel_loop3A_166 : i32 to index
      %parallel_loop3A_168 = tpu.vector_load %arg8[%parallel_loop3A_167] {strides = array<i32>} : memref<40192xf32, #tpu.memory_space<vmem>>, vector<16xf32>,
      tpu.vector_store %arg8[%parallel_loop3A_167], %parallel_loop3A_123 {strides = array<i32>} : memref<40192xf32, #tpu.memory_space<vmem>>, vector<16xf32>,
      %parallel_loop3A_169 = arith.constant 128 : i32
      %parallel_loop3A_170 = arith.muli %parallel_loop3A_62, %parallel_loop3A_169 : i32
      %parallel_loop3A_171 = arith.constant 80 : i32
      %parallel_loop3A_172 = arith.addi %parallel_loop3A_170, %parallel_loop3A_171 : i32
      %parallel_loop3A_173 = arith.index_cast %parallel_loop3A_172 : i32 to index
      %parallel_loop3A_174 = tpu.vector_load %arg8[%parallel_loop3A_173] {strides = array<i32>} : memref<40192xf32, #tpu.memory_space<vmem>>, vector<16xf32>,
      tpu.vector_store %arg8[%parallel_loop3A_173], %parallel_loop3A_128 {strides = array<i32>} : memref<40192xf32, #tpu.memory_space<vmem>>, vector<16xf32>,
      %parallel_loop3A_175 = arith.constant 128 : i32
      %parallel_loop3A_176 = arith.muli %parallel_loop3A_62, %parallel_loop3A_175 : i32
      %parallel_loop3A_177 = arith.constant 96 : i32
      %parallel_loop3A_178 = arith.addi %parallel_loop3A_176, %parallel_loop3A_177 : i32
      %parallel_loop3A_179 = arith.index_cast %parallel_loop3A_178 : i32 to index
      %parallel_loop3A_180 = tpu.vector_load %arg8[%parallel_loop3A_179] {strides = array<i32>} : memref<40192xf32, #tpu.memory_space<vmem>>, vector<16xf32>,
      tpu.vector_store %arg8[%parallel_loop3A_179], %parallel_loop3A_133 {strides = array<i32>} : memref<40192xf32, #tpu.memory_space<vmem>>, vector<16xf32>,
      %parallel_loop3A_181 = arith.constant 128 : i32
      %parallel_loop3A_182 = arith.muli %parallel_loop3A_62, %parallel_loop3A_181 : i32
      %parallel_loop3A_183 = arith.constant 112 : i32
      %parallel_loop3A_184 = arith.addi %parallel_loop3A_182, %parallel_loop3A_183 : i32
      %parallel_loop3A_185 = arith.index_cast %parallel_loop3A_184 : i32 to index
      %parallel_loop3A_186 = tpu.vector_load %arg8[%parallel_loop3A_185] {strides = array<i32>} : memref<40192xf32, #tpu.memory_space<vmem>>, vector<16xf32>,
      tpu.vector_store %arg8[%parallel_loop3A_185], %parallel_loop3A_138 {strides = array<i32>} : memref<40192xf32, #tpu.memory_space<vmem>>, vector<16xf32>,
    } {sc.loop_unroll_factor = 2 : i64, sc.parallel_access}
    %dma_start3A_36 = arith.constant 0 : i32
    %dma_start3A_37 = tpu.memref_slice %arg8[%dma_start3A_36] : memref<40192xf32, #tpu.memory_space<vmem>> -> memref<20096xf32, #tpu.memory_space<vmem>>
    %dma_start3A_38 = tpu.memref_slice %arg4[%mul3A_5] : memref<1280000xf32, #tpu.memory_space<hbm>> -> memref<20096xf32, #tpu.memory_space<hbm>>
    %dma_start3A_39 = tpu.memref_slice %arg4[%mul3A_5] : memref<1280000xf32, #tpu.memory_space<hbm>> -> memref<20096xf32, #tpu.memory_space<hbm>>
    %dma_start3A_40 = arith.constant 0 : i32
    %dma_start3A_41 = tpu.memref_slice %arg8[%dma_start3A_40] : memref<40192xf32, #tpu.memory_space<vmem>> -> memref<20096xf32, #tpu.memory_space<vmem>>
    tpu.enqueue_dma source(%dma_start3A_41 : memref<20096xf32, #tpu.memory_space<vmem>>) target(%dma_start3A_39 : memref<20096xf32, #tpu.memory_space<hbm>>) target_semaphore(%arg10 : memref<!tpu.dma_semaphore, #tpu.memory_space<semaphore_mem>>)
    %dma_wait3A_42 = arith.constant 20096 : i32
    %dma_wait3A_43 = tpu.memref_slice %arg5[%dma_wait3A_42] : memref<40192xi32, #tpu.memory_space<vmem>> -> memref<20096xi32, #tpu.memory_space<vmem>>
    %dma_wait3A_44 = tpu.memref_slice %arg2[%add3A_19] : memref<1280000xi32, #tpu.memory_space<hbm>> -> memref<20096xi32, #tpu.memory_space<hbm>>
    %dma_wait3A_45 = arith.constant 20096 : i32
    %dma_wait3A_46 = tpu.memref_slice %arg5[%dma_wait3A_45] : memref<40192xi32, #tpu.memory_space<vmem>> -> memref<20096xi32, #tpu.memory_space<vmem>>
    %dma_wait3A_47 = tpu.memref_slice %arg2[%add3A_19] : memref<1280000xi32, #tpu.memory_space<hbm>> -> memref<20096xi32, #tpu.memory_space<hbm>>
    tpu.wait_dma2 semaphore(%arg9 : memref<!tpu.dma_semaphore, #tpu.memory_space<semaphore_mem>>) src(%dma_wait3A_47 : memref<20096xi32, #tpu.memory_space<hbm>>) dst(%dma_wait3A_46 : memref<20096xi32, #tpu.memory_space<vmem>>)
    %parallel_loop3A_48 = arith.constant 157 : i32
    %parallel_loop3A_49 = arith.constant 314 : i32
    %parallel_loop3A_50 = arith.constant 1 : i32
    scf.for %parallel_loop3A_62 = %parallel_loop3A_48 to %parallel_loop3A_49 step %parallel_loop3A_50  : i32 {
      %parallel_loop3A_63 = arith.constant 128 : i32
      %parallel_loop3A_64 = arith.muli %parallel_loop3A_62, %parallel_loop3A_63 : i32
      %parallel_loop3A_65 = vector.broadcast %parallel_loop3A_64 : i32 to vector<16xi32>
      %parallel_loop3A_66 = arith.addi %mul3A_8, %parallel_loop3A_65 : vector<16xi32>
      %parallel_loop3A_67 = tpu.vector_load_idx %arg5[%parallel_loop3A_66] : memref<40192xi32, #tpu.memory_space<vmem>>[vector<16xi32>], vector<16xi32>,
      %parallel_loop3A_68 = arith.constant 1 : i32
      %parallel_loop3A_69 = vector.broadcast %parallel_loop3A_68 : i32 to vector<16xi32>
      %parallel_loop3A_70 = arith.addi %parallel_loop3A_66, %parallel_loop3A_69 : vector<16xi32>
      %parallel_loop3A_71 = tpu.vector_load_idx %arg5[%parallel_loop3A_70] : memref<40192xi32, #tpu.memory_space<vmem>>[vector<16xi32>], vector<16xi32>,
      %parallel_loop3A_72 = arith.constant 1 : i32
      %parallel_loop3A_73 = vector.broadcast %parallel_loop3A_72 : i32 to vector<16xi32>
      %parallel_loop3A_74 = arith.shli %parallel_loop3A_71, %parallel_loop3A_73 : vector<16xi32>
      %parallel_loop3A_75 = arith.addi %parallel_loop3A_67, %parallel_loop3A_74 : vector<16xi32>
      %parallel_loop3A_76 = arith.constant 2 : i32
      %parallel_loop3A_77 = vector.broadcast %parallel_loop3A_76 : i32 to vector<16xi32>
      %parallel_loop3A_78 = arith.addi %parallel_loop3A_66, %parallel_loop3A_77 : vector<16xi32>
      %parallel_loop3A_79 = tpu.vector_load_idx %arg5[%parallel_loop3A_78] : memref<40192xi32, #tpu.memory_space<vmem>>[vector<16xi32>], vector<16xi32>,
      %parallel_loop3A_80 = arith.constant 2 : i32
      %parallel_loop3A_81 = vector.broadcast %parallel_loop3A_80 : i32 to vector<16xi32>
      %parallel_loop3A_82 = arith.shli %parallel_loop3A_79, %parallel_loop3A_81 : vector<16xi32>
      %parallel_loop3A_83 = arith.addi %parallel_loop3A_75, %parallel_loop3A_82 : vector<16xi32>
      %parallel_loop3A_84 = arith.constant 3 : i32
      %parallel_loop3A_85 = vector.broadcast %parallel_loop3A_84 : i32 to vector<16xi32>
      %parallel_loop3A_86 = arith.addi %parallel_loop3A_66, %parallel_loop3A_85 : vector<16xi32>
      %parallel_loop3A_87 = tpu.vector_load_idx %arg5[%parallel_loop3A_86] : memref<40192xi32, #tpu.memory_space<vmem>>[vector<16xi32>], vector<16xi32>,
      %parallel_loop3A_88 = arith.constant 3 : i32
      %parallel_loop3A_89 = vector.broadcast %parallel_loop3A_88 : i32 to vector<16xi32>
      %parallel_loop3A_90 = arith.shli %parallel_loop3A_87, %parallel_loop3A_89 : vector<16xi32>
      %parallel_loop3A_91 = arith.addi %parallel_loop3A_83, %parallel_loop3A_90 : vector<16xi32>
      %parallel_loop3A_92 = arith.constant 4 : i32
      %parallel_loop3A_93 = vector.broadcast %parallel_loop3A_92 : i32 to vector<16xi32>
      %parallel_loop3A_94 = arith.addi %parallel_loop3A_66, %parallel_loop3A_93 : vector<16xi32>
      %parallel_loop3A_95 = tpu.vector_load_idx %arg5[%parallel_loop3A_94] : memref<40192xi32, #tpu.memory_space<vmem>>[vector<16xi32>], vector<16xi32>,
      %parallel_loop3A_96 = arith.constant 4 : i32
      %parallel_loop3A_97 = vector.broadcast %parallel_loop3A_96 : i32 to vector<16xi32>
      %parallel_loop3A_98 = arith.shli %parallel_loop3A_95, %parallel_loop3A_97 : vector<16xi32>
      %parallel_loop3A_99 = arith.addi %parallel_loop3A_91, %parallel_loop3A_98 : vector<16xi32>
      %parallel_loop3A_100 = arith.constant 5 : i32
      %parallel_loop3A_101 = vector.broadcast %parallel_loop3A_100 : i32 to vector<16xi32>
      %parallel_loop3A_102 = arith.addi %parallel_loop3A_66, %parallel_loop3A_101 : vector<16xi32>
      %parallel_loop3A_103 = tpu.vector_load_idx %arg5[%parallel_loop3A_102] : memref<40192xi32, #tpu.memory_space<vmem>>[vector<16xi32>], vector<16xi32>,
      %parallel_loop3A_104 = arith.constant 5 : i32
      %parallel_loop3A_105 = vector.broadcast %parallel_loop3A_104 : i32 to vector<16xi32>
      %parallel_loop3A_106 = arith.shli %parallel_loop3A_103, %parallel_loop3A_105 : vector<16xi32>
      %parallel_loop3A_107 = arith.addi %parallel_loop3A_99, %parallel_loop3A_106 : vector<16xi32>
      %parallel_loop3A_108 = arith.constant 6 : i32
      %parallel_loop3A_109 = vector.broadcast %parallel_loop3A_108 : i32 to vector<16xi32>
      %parallel_loop3A_110 = arith.addi %parallel_loop3A_66, %parallel_loop3A_109 : vector<16xi32>
      %parallel_loop3A_111 = tpu.vector_load_idx %arg5[%parallel_loop3A_110] : memref<40192xi32, #tpu.memory_space<vmem>>[vector<16xi32>], vector<16xi32>,
      %parallel_loop3A_112 = arith.constant 6 : i32
      %parallel_loop3A_113 = vector.broadcast %parallel_loop3A_112 : i32 to vector<16xi32>
      %parallel_loop3A_114 = arith.shli %parallel_loop3A_111, %parallel_loop3A_113 : vector<16xi32>
      %parallel_loop3A_115 = arith.addi %parallel_loop3A_107, %parallel_loop3A_114 : vector<16xi32>
      %parallel_loop3A_116 = arith.constant 7 : i32
      %parallel_loop3A_117 = vector.broadcast %parallel_loop3A_116 : i32 to vector<16xi32>
      %parallel_loop3A_118 = arith.addi %parallel_loop3A_66, %parallel_loop3A_117 : vector<16xi32>
      %parallel_loop3A_119 = tpu.vector_load_idx %arg5[%parallel_loop3A_118] : memref<40192xi32, #tpu.memory_space<vmem>>[vector<16xi32>], vector<16xi32>,
      %parallel_loop3A_120 = arith.constant 7 : i32
      %parallel_loop3A_121 = vector.broadcast %parallel_loop3A_120 : i32 to vector<16xi32>
      %parallel_loop3A_122 = arith.shli %parallel_loop3A_119, %parallel_loop3A_121 : vector<16xi32>
      %parallel_loop3A_123 = arith.addi %parallel_loop3A_115, %parallel_loop3A_122 : vector<16xi32>
      %parallel_loop3A_124 = arith.constant 16 : i32
      %parallel_loop3A_125 = arith.muli %parallel_loop3A_62, %parallel_loop3A_124 : i32
      %parallel_loop3A_126 = arith.index_cast %parallel_loop3A_125 : i32 to index
      %parallel_loop3A_127 = tpu.vector_load %arg7[%parallel_loop3A_126] {strides = array<i32>} : memref<5024xi32, #tpu.memory_space<vmem>>, vector<16xi32>,
      tpu.vector_store %arg7[%parallel_loop3A_126], %parallel_loop3A_123 {strides = array<i32>} : memref<5024xi32, #tpu.memory_space<vmem>>, vector<16xi32>,
    } {sc.loop_unroll_factor = 2 : i64, sc.parallel_access}
    %parallel_loop3A_51 = arith.constant 157 : i32
    %parallel_loop3A_52 = arith.constant 314 : i32
    %parallel_loop3A_53 = arith.constant 1 : i32
    scf.for %parallel_loop3A_62 = %parallel_loop3A_51 to %parallel_loop3A_52 step %parallel_loop3A_53  : i32 {
      %parallel_loop3A_63 = arith.constant 16 : i32
      %parallel_loop3A_64 = arith.muli %parallel_loop3A_62, %parallel_loop3A_63 : i32
      %parallel_loop3A_65 = vector.broadcast %parallel_loop3A_64 : i32 to vector<16xi32>
      %parallel_loop3A_66 = arith.addi %parallel_loop3A_65, %shift_right_arithmetic3A_12 : vector<16xi32>
      %parallel_loop3A_67 = arith.constant 0 : i32
      %parallel_loop3A_68 = vector.broadcast %parallel_loop3A_67 : i32 to vector<16xi32>
      %parallel_loop3A_69 = arith.addi %parallel_loop3A_66, %parallel_loop3A_68 : vector<16xi32>
      %parallel_loop3A_70 = tpu.vector_load_idx %arg7[%parallel_loop3A_69] : memref<5024xi32, #tpu.memory_space<vmem>>[vector<16xi32>], vector<16xi32>,
      %parallel_loop3A_71 = arith.constant 2 : i32
      %parallel_loop3A_72 = vector.broadcast %parallel_loop3A_71 : i32 to vector<16xi32>
      %parallel_loop3A_73 = arith.addi %parallel_loop3A_66, %parallel_loop3A_72 : vector<16xi32>
      %parallel_loop3A_74 = tpu.vector_load_idx %arg7[%parallel_loop3A_73] : memref<5024xi32, #tpu.memory_space<vmem>>[vector<16xi32>], vector<16xi32>,
      %parallel_loop3A_75 = arith.constant 4 : i32
      %parallel_loop3A_76 = vector.broadcast %parallel_loop3A_75 : i32 to vector<16xi32>
      %parallel_loop3A_77 = arith.addi %parallel_loop3A_66, %parallel_loop3A_76 : vector<16xi32>
      %parallel_loop3A_78 = tpu.vector_load_idx %arg7[%parallel_loop3A_77] : memref<5024xi32, #tpu.memory_space<vmem>>[vector<16xi32>], vector<16xi32>,
      %parallel_loop3A_79 = arith.constant 6 : i32
      %parallel_loop3A_80 = vector.broadcast %parallel_loop3A_79 : i32 to vector<16xi32>
      %parallel_loop3A_81 = arith.addi %parallel_loop3A_66, %parallel_loop3A_80 : vector<16xi32>
      %parallel_loop3A_82 = tpu.vector_load_idx %arg7[%parallel_loop3A_81] : memref<5024xi32, #tpu.memory_space<vmem>>[vector<16xi32>], vector<16xi32>,
      %parallel_loop3A_83 = arith.constant 8 : i32
      %parallel_loop3A_84 = vector.broadcast %parallel_loop3A_83 : i32 to vector<16xi32>
      %parallel_loop3A_85 = arith.addi %parallel_loop3A_66, %parallel_loop3A_84 : vector<16xi32>
      %parallel_loop3A_86 = tpu.vector_load_idx %arg7[%parallel_loop3A_85] : memref<5024xi32, #tpu.memory_space<vmem>>[vector<16xi32>], vector<16xi32>,
      %parallel_loop3A_87 = arith.constant 10 : i32
      %parallel_loop3A_88 = vector.broadcast %parallel_loop3A_87 : i32 to vector<16xi32>
      %parallel_loop3A_89 = arith.addi %parallel_loop3A_66, %parallel_loop3A_88 : vector<16xi32>
      %parallel_loop3A_90 = tpu.vector_load_idx %arg7[%parallel_loop3A_89] : memref<5024xi32, #tpu.memory_space<vmem>>[vector<16xi32>], vector<16xi32>,
      %parallel_loop3A_91 = arith.constant 12 : i32
      %parallel_loop3A_92 = vector.broadcast %parallel_loop3A_91 : i32 to vector<16xi32>
      %parallel_loop3A_93 = arith.addi %parallel_loop3A_66, %parallel_loop3A_92 : vector<16xi32>
      %parallel_loop3A_94 = tpu.vector_load_idx %arg7[%parallel_loop3A_93] : memref<5024xi32, #tpu.memory_space<vmem>>[vector<16xi32>], vector<16xi32>,
      %parallel_loop3A_95 = arith.constant 14 : i32
      %parallel_loop3A_96 = vector.broadcast %parallel_loop3A_95 : i32 to vector<16xi32>
      %parallel_loop3A_97 = arith.addi %parallel_loop3A_66, %parallel_loop3A_96 : vector<16xi32>
      %parallel_loop3A_98 = tpu.vector_load_idx %arg7[%parallel_loop3A_97] : memref<5024xi32, #tpu.memory_space<vmem>>[vector<16xi32>], vector<16xi32>,
      %parallel_loop3A_99 = arith.constant 3 : i32
      %parallel_loop3A_100 = vector.broadcast %parallel_loop3A_99 : i32 to vector<16xi32>
      %parallel_loop3A_101 = arith.shli %parallel_loop3A_70, %parallel_loop3A_100 : vector<16xi32>
      %parallel_loop3A_102 = arith.addi %parallel_loop3A_101, %and3A_10 : vector<16xi32>
      %parallel_loop3A_103 = tpu.vector_load_idx %arg6[%parallel_loop3A_102] : memref<2048xf32, #tpu.memory_space<vmem>>[vector<16xi32>], vector<16xf32>,
      %parallel_loop3A_104 = arith.constant 3 : i32
      %parallel_loop3A_105 = vector.broadcast %parallel_loop3A_104 : i32 to vector<16xi32>
      %parallel_loop3A_106 = arith.shli %parallel_loop3A_74, %parallel_loop3A_105 : vector<16xi32>
      %parallel_loop3A_107 = arith.addi %parallel_loop3A_106, %and3A_10 : vector<16xi32>
      %parallel_loop3A_108 = tpu.vector_load_idx %arg6[%parallel_loop3A_107] : memref<2048xf32, #tpu.memory_space<vmem>>[vector<16xi32>], vector<16xf32>,
      %parallel_loop3A_109 = arith.constant 3 : i32
      %parallel_loop3A_110 = vector.broadcast %parallel_loop3A_109 : i32 to vector<16xi32>
      %parallel_loop3A_111 = arith.shli %parallel_loop3A_78, %parallel_loop3A_110 : vector<16xi32>
      %parallel_loop3A_112 = arith.addi %parallel_loop3A_111, %and3A_10 : vector<16xi32>
      %parallel_loop3A_113 = tpu.vector_load_idx %arg6[%parallel_loop3A_112] : memref<2048xf32, #tpu.memory_space<vmem>>[vector<16xi32>], vector<16xf32>,
      %parallel_loop3A_114 = arith.constant 3 : i32
      %parallel_loop3A_115 = vector.broadcast %parallel_loop3A_114 : i32 to vector<16xi32>
      %parallel_loop3A_116 = arith.shli %parallel_loop3A_82, %parallel_loop3A_115 : vector<16xi32>
      %parallel_loop3A_117 = arith.addi %parallel_loop3A_116, %and3A_10 : vector<16xi32>
      %parallel_loop3A_118 = tpu.vector_load_idx %arg6[%parallel_loop3A_117] : memref<2048xf32, #tpu.memory_space<vmem>>[vector<16xi32>], vector<16xf32>,
      %parallel_loop3A_119 = arith.constant 3 : i32
      %parallel_loop3A_120 = vector.broadcast %parallel_loop3A_119 : i32 to vector<16xi32>
      %parallel_loop3A_121 = arith.shli %parallel_loop3A_86, %parallel_loop3A_120 : vector<16xi32>
      %parallel_loop3A_122 = arith.addi %parallel_loop3A_121, %and3A_10 : vector<16xi32>
      %parallel_loop3A_123 = tpu.vector_load_idx %arg6[%parallel_loop3A_122] : memref<2048xf32, #tpu.memory_space<vmem>>[vector<16xi32>], vector<16xf32>,
      %parallel_loop3A_124 = arith.constant 3 : i32
      %parallel_loop3A_125 = vector.broadcast %parallel_loop3A_124 : i32 to vector<16xi32>
      %parallel_loop3A_126 = arith.shli %parallel_loop3A_90, %parallel_loop3A_125 : vector<16xi32>
      %parallel_loop3A_127 = arith.addi %parallel_loop3A_126, %and3A_10 : vector<16xi32>
      %parallel_loop3A_128 = tpu.vector_load_idx %arg6[%parallel_loop3A_127] : memref<2048xf32, #tpu.memory_space<vmem>>[vector<16xi32>], vector<16xf32>,
      %parallel_loop3A_129 = arith.constant 3 : i32
      %parallel_loop3A_130 = vector.broadcast %parallel_loop3A_129 : i32 to vector<16xi32>
      %parallel_loop3A_131 = arith.shli %parallel_loop3A_94, %parallel_loop3A_130 : vector<16xi32>
      %parallel_loop3A_132 = arith.addi %parallel_loop3A_131, %and3A_10 : vector<16xi32>
      %parallel_loop3A_133 = tpu.vector_load_idx %arg6[%parallel_loop3A_132] : memref<2048xf32, #tpu.memory_space<vmem>>[vector<16xi32>], vector<16xf32>,
      %parallel_loop3A_134 = arith.constant 3 : i32
      %parallel_loop3A_135 = vector.broadcast %parallel_loop3A_134 : i32 to vector<16xi32>
      %parallel_loop3A_136 = arith.shli %parallel_loop3A_98, %parallel_loop3A_135 : vector<16xi32>
      %parallel_loop3A_137 = arith.addi %parallel_loop3A_136, %and3A_10 : vector<16xi32>
      %parallel_loop3A_138 = tpu.vector_load_idx %arg6[%parallel_loop3A_137] : memref<2048xf32, #tpu.memory_space<vmem>>[vector<16xi32>], vector<16xf32>,
      %parallel_loop3A_139 = arith.constant 128 : i32
      %parallel_loop3A_140 = arith.muli %parallel_loop3A_62, %parallel_loop3A_139 : i32
      %parallel_loop3A_141 = arith.constant 0 : i32
      %parallel_loop3A_142 = arith.addi %parallel_loop3A_140, %parallel_loop3A_141 : i32
      %parallel_loop3A_143 = arith.index_cast %parallel_loop3A_142 : i32 to index
      %parallel_loop3A_144 = tpu.vector_load %arg8[%parallel_loop3A_143] {strides = array<i32>} : memref<40192xf32, #tpu.memory_space<vmem>>, vector<16xf32>,
      tpu.vector_store %arg8[%parallel_loop3A_143], %parallel_loop3A_103 {strides = array<i32>} : memref<40192xf32, #tpu.memory_space<vmem>>, vector<16xf32>,
      %parallel_loop3A_145 = arith.constant 128 : i32
      %parallel_loop3A_146 = arith.muli %parallel_loop3A_62, %parallel_loop3A_145 : i32
      %parallel_loop3A_147 = arith.constant 16 : i32
      %parallel_loop3A_148 = arith.addi %parallel_loop3A_146, %parallel_loop3A_147 : i32
      %parallel_loop3A_149 = arith.index_cast %parallel_loop3A_148 : i32 to index
      %parallel_loop3A_150 = tpu.vector_load %arg8[%parallel_loop3A_149] {strides = array<i32>} : memref<40192xf32, #tpu.memory_space<vmem>>, vector<16xf32>,
      tpu.vector_store %arg8[%parallel_loop3A_149], %parallel_loop3A_108 {strides = array<i32>} : memref<40192xf32, #tpu.memory_space<vmem>>, vector<16xf32>,
      %parallel_loop3A_151 = arith.constant 128 : i32
      %parallel_loop3A_152 = arith.muli %parallel_loop3A_62, %parallel_loop3A_151 : i32
      %parallel_loop3A_153 = arith.constant 32 : i32
      %parallel_loop3A_154 = arith.addi %parallel_loop3A_152, %parallel_loop3A_153 : i32
      %parallel_loop3A_155 = arith.index_cast %parallel_loop3A_154 : i32 to index
      %parallel_loop3A_156 = tpu.vector_load %arg8[%parallel_loop3A_155] {strides = array<i32>} : memref<40192xf32, #tpu.memory_space<vmem>>, vector<16xf32>,
      tpu.vector_store %arg8[%parallel_loop3A_155], %parallel_loop3A_113 {strides = array<i32>} : memref<40192xf32, #tpu.memory_space<vmem>>, vector<16xf32>,
      %parallel_loop3A_157 = arith.constant 128 : i32
      %parallel_loop3A_158 = arith.muli %parallel_loop3A_62, %parallel_loop3A_157 : i32
      %parallel_loop3A_159 = arith.constant 48 : i32
      %parallel_loop3A_160 = arith.addi %parallel_loop3A_158, %parallel_loop3A_159 : i32
      %parallel_loop3A_161 = arith.index_cast %parallel_loop3A_160 : i32 to index
      %parallel_loop3A_162 = tpu.vector_load %arg8[%parallel_loop3A_161] {strides = array<i32>} : memref<40192xf32, #tpu.memory_space<vmem>>, vector<16xf32>,
      tpu.vector_store %arg8[%parallel_loop3A_161], %parallel_loop3A_118 {strides = array<i32>} : memref<40192xf32, #tpu.memory_space<vmem>>, vector<16xf32>,
      %parallel_loop3A_163 = arith.constant 128 : i32
      %parallel_loop3A_164 = arith.muli %parallel_loop3A_62, %parallel_loop3A_163 : i32
      %parallel_loop3A_165 = arith.constant 64 : i32
      %parallel_loop3A_166 = arith.addi %parallel_loop3A_164, %parallel_loop3A_165 : i32
      %parallel_loop3A_167 = arith.index_cast %parallel_loop3A_166 : i32 to index
      %parallel_loop3A_168 = tpu.vector_load %arg8[%parallel_loop3A_167] {strides = array<i32>} : memref<40192xf32, #tpu.memory_space<vmem>>, vector<16xf32>,
      tpu.vector_store %arg8[%parallel_loop3A_167], %parallel_loop3A_123 {strides = array<i32>} : memref<40192xf32, #tpu.memory_space<vmem>>, vector<16xf32>,
      %parallel_loop3A_169 = arith.constant 128 : i32
      %parallel_loop3A_170 = arith.muli %parallel_loop3A_62, %parallel_loop3A_169 : i32
      %parallel_loop3A_171 = arith.constant 80 : i32
      %parallel_loop3A_172 = arith.addi %parallel_loop3A_170, %parallel_loop3A_171 : i32
      %parallel_loop3A_173 = arith.index_cast %parallel_loop3A_172 : i32 to index
      %parallel_loop3A_174 = tpu.vector_load %arg8[%parallel_loop3A_173] {strides = array<i32>} : memref<40192xf32, #tpu.memory_space<vmem>>, vector<16xf32>,
      tpu.vector_store %arg8[%parallel_loop3A_173], %parallel_loop3A_128 {strides = array<i32>} : memref<40192xf32, #tpu.memory_space<vmem>>, vector<16xf32>,
      %parallel_loop3A_175 = arith.constant 128 : i32
      %parallel_loop3A_176 = arith.muli %parallel_loop3A_62, %parallel_loop3A_175 : i32
      %parallel_loop3A_177 = arith.constant 96 : i32
      %parallel_loop3A_178 = arith.addi %parallel_loop3A_176, %parallel_loop3A_177 : i32
      %parallel_loop3A_179 = arith.index_cast %parallel_loop3A_178 : i32 to index
      %parallel_loop3A_180 = tpu.vector_load %arg8[%parallel_loop3A_179] {strides = array<i32>} : memref<40192xf32, #tpu.memory_space<vmem>>, vector<16xf32>,
      tpu.vector_store %arg8[%parallel_loop3A_179], %parallel_loop3A_133 {strides = array<i32>} : memref<40192xf32, #tpu.memory_space<vmem>>, vector<16xf32>,
      %parallel_loop3A_181 = arith.constant 128 : i32
      %parallel_loop3A_182 = arith.muli %parallel_loop3A_62, %parallel_loop3A_181 : i32
      %parallel_loop3A_183 = arith.constant 112 : i32
      %parallel_loop3A_184 = arith.addi %parallel_loop3A_182, %parallel_loop3A_183 : i32
      %parallel_loop3A_185 = arith.index_cast %parallel_loop3A_184 : i32 to index
      %parallel_loop3A_186 = tpu.vector_load %arg8[%parallel_loop3A_185] {strides = array<i32>} : memref<40192xf32, #tpu.memory_space<vmem>>, vector<16xf32>,
      tpu.vector_store %arg8[%parallel_loop3A_185], %parallel_loop3A_138 {strides = array<i32>} : memref<40192xf32, #tpu.memory_space<vmem>>, vector<16xf32>,
    } {sc.loop_unroll_factor = 2 : i64, sc.parallel_access}
    %add3A_54 = arith.constant 20096 : i32
    %add3A_55 = arith.addi %mul3A_5, %add3A_54 : i32
    "tpu.region"() ({
      %run_scoped3A = tpu.sem_alloc : memref<!tpu.dma_semaphore, #tpu.memory_space<semaphore_mem>>
      %dma_start3A_62 = arith.constant 20096 : i32
      %dma_start3A_63 = tpu.memref_slice %arg8[%dma_start3A_62] : memref<40192xf32, #tpu.memory_space<vmem>> -> memref<20096xf32, #tpu.memory_space<vmem>>
      %dma_start3A_64 = tpu.memref_slice %arg4[%add3A_55] : memref<1280000xf32, #tpu.memory_space<hbm>> -> memref<20096xf32, #tpu.memory_space<hbm>>
      %dma_start3A_65 = tpu.memref_slice %arg4[%add3A_55] : memref<1280000xf32, #tpu.memory_space<hbm>> -> memref<20096xf32, #tpu.memory_space<hbm>>
      %dma_start3A_66 = arith.constant 20096 : i32
      %dma_start3A_67 = tpu.memref_slice %arg8[%dma_start3A_66] : memref<40192xf32, #tpu.memory_space<vmem>> -> memref<20096xf32, #tpu.memory_space<vmem>>
      tpu.enqueue_dma source(%dma_start3A_67 : memref<20096xf32, #tpu.memory_space<vmem>>) target(%dma_start3A_65 : memref<20096xf32, #tpu.memory_space<hbm>>) target_semaphore(%run_scoped3A : memref<!tpu.dma_semaphore, #tpu.memory_space<semaphore_mem>>)
      %dma_wait3A_68 = arith.constant 20096 : i32
      %dma_wait3A_69 = tpu.memref_slice %arg8[%dma_wait3A_68] : memref<40192xf32, #tpu.memory_space<vmem>> -> memref<20096xf32, #tpu.memory_space<vmem>>
      %dma_wait3A_70 = tpu.memref_slice %arg4[%add3A_55] : memref<1280000xf32, #tpu.memory_space<hbm>> -> memref<20096xf32, #tpu.memory_space<hbm>>
      %dma_wait3A_71 = tpu.memref_slice %arg4[%add3A_55] : memref<1280000xf32, #tpu.memory_space<hbm>> -> memref<20096xf32, #tpu.memory_space<hbm>>
      %dma_wait3A_72 = arith.constant 20096 : i32
      %dma_wait3A_73 = tpu.memref_slice %arg8[%dma_wait3A_72] : memref<40192xf32, #tpu.memory_space<vmem>> -> memref<20096xf32, #tpu.memory_space<vmem>>
      tpu.wait_dma2 semaphore(%run_scoped3A : memref<!tpu.dma_semaphore, #tpu.memory_space<semaphore_mem>>) src(%dma_wait3A_73 : memref<20096xf32, #tpu.memory_space<vmem>>) dst(%dma_wait3A_71 : memref<20096xf32, #tpu.memory_space<hbm>>)
      tpu.yield
    }) : () -> ()
    %dma_wait3A_56 = arith.constant 0 : i32
    %dma_wait3A_57 = tpu.memref_slice %arg8[%dma_wait3A_56] : memref<40192xf32, #tpu.memory_space<vmem>> -> memref<20096xf32, #tpu.memory_space<vmem>>
    %dma_wait3A_58 = tpu.memref_slice %arg4[%mul3A_5] : memref<1280000xf32, #tpu.memory_space<hbm>> -> memref<20096xf32, #tpu.memory_space<hbm>>
    %dma_wait3A_59 = tpu.memref_slice %arg4[%mul3A_5] : memref<1280000xf32, #tpu.memory_space<hbm>> -> memref<20096xf32, #tpu.memory_space<hbm>>
    %dma_wait3A_60 = arith.constant 0 : i32
    %dma_wait3A_61 = tpu.memref_slice %arg8[%dma_wait3A_60] : memref<40192xf32, #tpu.memory_space<vmem>> -> memref<20096xf32, #tpu.memory_space<vmem>>
    tpu.wait_dma2 semaphore(%arg10 : memref<!tpu.dma_semaphore, #tpu.memory_space<semaphore_mem>>) src(%dma_wait3A_61 : memref<20096xf32, #tpu.memory_space<vmem>>) dst(%dma_wait3A_59 : memref<20096xf32, #tpu.memory_space<hbm>>)
    return
  }
}

</mosaic_0001>

<sc_bundles>
// kernel: kernel.3.cloned.1.call-start
scs
__scs_entry_jumppad:
0x0: {  	(pc) =	sbr.rel $0x88, $3  }
0x1: {  	(tag) =	ssettag $0x0;
	lr =	simm.s32 $0x1  }
0x2: {  	[smem:$0x3F9E] =	sst lr;
	_ =	strace $0xD0000000  }
0x3: {  	_ = 	snop  }
0x4: {  	_ = 	snop  }
0x5: {  	_ = 	snop  }
0x6: {  	_ = 	snop  }
0x7: {  	_ = 	snop  }
__scs_overlays_trampoline_lowered:
0x8: {  	[smem:$0x3FAD] =	sst s0  }
0x9: {  	[smem:$0x3FAE] =	sst s1  }
0xa: {  	[smem:$0x3FAF] =	sst s2  }
0xb: {  	[smem:$0x3FB0] =	sst s3  }
0xc: {  	[smem:$0x3FB1] =	sst s4  }
0xd: {  	[smem:$0x3FB2] =	sst s5  }
0xe: {  	[smem:$0x3FB3] =	sst s6  }
0xf: {  	[smem:$0x3FB4] =	sst s7  }
0x10: {  	[smem:$0x3FB5] =	sst s8  }
0x11: {  	[smem:$0x3FB6] =	sst s9;
	s0 =	simm.s32 @!p0 $0x0  }
0x12: {  	s1 =	sld [smem:$0x3F9C];
	s0 =	simm.s32 @p0 $0x1  }
0x13: {  	[smem:$0x3FB7] =	sst s0;
	s0 =	simm.s32 @!p1 $0x0  }
0x14: {  	s2 =	sld [smem:$0x3F9B];
	s0 =	simm.s32 @p1 $0x1  }
0x15: {  	[smem:$0x3FB8] =	sst s0;
	s0 =	simm.s32 @!p2 $0x0  }
0x16: {  	s3 =	sld [smem:$0x3FDB];
	s0 =	simm.s32 @p2 $0x1  }
0x17: {  	s4 =	simm.s32 $0x1BF5;
	[smem:$0x3FBA] =	sst s0  }
0x18: {  	s0 =	sld [smem:$0x3F9D];
	_ =	swait.ge [sflag:s4], $0x0  }
0x19: {  	s7 =	sld [smem:$0x3F9E]  }
0x1a: {  	s8 =	sadd.s32 $0xFFFFE003, lr  }
0x1b: {  	s9 =	sadd.s32 $0xFFFFFEF7, lr;
	s5 =	simm.s32 $0xFFFFFFFF;
	p2 =	slt.u32 s8, $0xFFFFF086  }
0x1c: {  	p1 =	slt.u32 s9, $0xF7A;
	s5 =	simm.s32 @!p2 $0x0  }
0x1d: {  	s5 =	simm.s32 @p1 $0x1;
	p0 =	seq.s32 s7, s2  }
0x1e: {  	s7 =	smul.u32 @!p0 $0xF7A, s2;
	p2 =	seq.s32 @!p0 s5, $0x0  }
0x1f: {  	s9 =	smul.u32 $0xF7A, s1;
	s8 =	simm.s32 @!p0 $0x1BF5;
	p2 =	por !p2, p0  }
0x20: {  	[sflag:s8] =	ssyncset.s32 @!p0 $0xFFFFF086;
	s6 =	sadd.s32 @!p0 s3, s7;
	s7 =	simm.s32 @!p0 $0x108  }
0x21: {  	s3 =	sadd.s32 s3, s9;
	s6 =	sadd.s32 @!p0 $0x88, s6;
	s7 =	simm.s32 @p2 $0x1082  }
0x22: {  	[simem:s7], [sflag:s8] =	dma.local @!p0 [hbm:s6], $0xF7A  }
0x23: {  	s9 =	sor.u32 $0xD0000000, s2;
	s6 =	simm.s32 $0x108;
	_ =	swait.ge @!p0 [sflag:s8], $0x0  }
0x24: {  	s3 =	sadd.s32 $0x88, s3;
	s6 =	simm.s32 @!p1 $0x1082;
	[sflag:s4] =	ssyncset.s32 $0xFFFFF086  }
0x25: {  	[simem:s6], [sflag:s4] =	dma.local [hbm:s3], $0xF7A  }
0x26: {  	[smem:$0x3F9E] =	sst s1;
	(tag) =	ssettag s2;
	_ =	strace s9  }
0x27: {  	s1 =	sld [smem:$0x3FAE]  }
0x28: {  	s2 =	sld [smem:$0x3FAF]  }
0x29: {  	s4 =	sld [smem:$0x3FB1]  }
0x2a: {  	p0 =	seq.s32 s5, $0x0;
	s5 =	sld [smem:$0x3FB2]  }
0x2b: {  	s6 =	sld [smem:$0x3FB3]  }
0x2c: {  	s7 =	sld [smem:$0x3FB4]  }
0x2d: {  	s3 =	simm.s32 $0x108;
	s8 =	sld [smem:$0x3FB5]  }
0x2e: {  	s3 =	simm.s32 @!p0 $0x1082;
	s9 =	sld [smem:$0x3FB6]  }
0x2f: {  	lr =	sadd.s32 s0, s3;
	s0 =	sld [smem:$0x3FAD]  }
0x30: {  	s3 =	sld [smem:$0x3FB0]  }
0x31: {  	[smem:$0x3FB9] =	sst s10  }
0x32: {  	s10 =	sld [smem:$0x3FB7];
	_ =	sdelay $0x3  }
0x33: {  	p0 =	seq.s32 s10, $0x1;
	s10 =	sld [smem:$0x3FB9];
	_ =	sdelay $0x3  }
0x34: {  	[smem:$0x3FB9] =	sst s10  }
0x35: {  	s10 =	sld [smem:$0x3FB8];
	_ =	sdelay $0x3  }
0x36: {  	p1 =	seq.s32 s10, $0x1;
	s10 =	sld [smem:$0x3FB9];
	_ =	sdelay $0x3  }
0x37: {  	[smem:$0x3FB9] =	sst s10  }
0x38: {  	s10 =	sld [smem:$0x3FBA]  }
0x39: {  	_ = 	snop;
	(pc) =	sbr.ind lr, $3  }
0x3a: {  	_ = 	snop  }
0x3b: {  	_ = 	snop  }
0x3c: {  	p2 =	seq.s32 s10, $0x1;
	s10 =	sld [smem:$0x3FB9]  }
0x3d: {  	_ =	shalt  }
0x3e: {  	_ =	shalt  }
0x3f: {  	_ =	shalt  }
0x40: {  	_ =	shalt  }
0x41: {  	_ =	shalt  }
0x42: {  	_ =	shalt  }
0x43: {  	_ =	shalt  }
0x44: {  	_ =	shalt  }
0x45: {  	_ =	shalt  }
0x46: {  	_ =	shalt  }
0x47: {  	_ =	shalt  }
0x48: {  	_ =	shalt  }
0x49: {  	_ =	shalt  }
0x4a: {  	_ =	shalt  }
0x4b: {  	_ =	shalt  }
0x4c: {  	_ =	shalt  }
0x4d: {  	_ =	shalt  }
0x4e: {  	_ =	shalt  }
0x4f: {  	_ =	shalt  }
0x50: {  	_ =	shalt  }
0x51: {  	_ =	shalt  }
0x52: {  	_ =	shalt  }
0x53: {  	_ =	shalt  }
0x54: {  	_ =	shalt  }
0x55: {  	_ =	shalt  }
0x56: {  	_ =	shalt  }
0x57: {  	_ =	shalt  }
0x58: {  	_ =	shalt  }
0x59: {  	_ =	shalt  }
0x5a: {  	_ =	shalt  }
0x5b: {  	_ =	shalt  }
0x5c: {  	_ =	shalt  }
0x5d: {  	_ =	shalt  }
0x5e: {  	_ =	shalt  }
0x5f: {  	_ =	shalt  }
0x60: {  	_ =	shalt  }
0x61: {  	_ =	shalt  }
0x62: {  	_ =	shalt  }
0x63: {  	_ =	shalt  }
0x64: {  	_ =	shalt  }
0x65: {  	_ =	shalt  }
0x66: {  	_ =	shalt  }
0x67: {  	_ =	shalt  }
0x68: {  	_ =	shalt  }
0x69: {  	_ =	shalt  }
0x6a: {  	_ =	shalt  }
0x6b: {  	_ =	shalt  }
0x6c: {  	_ =	shalt  }
0x6d: {  	_ =	shalt  }
0x6e: {  	_ =	shalt  }
0x6f: {  	_ =	shalt  }
0x70: {  	_ =	shalt  }
0x71: {  	_ =	shalt  }
0x72: {  	_ =	shalt  }
0x73: {  	_ =	shalt  }
0x74: {  	_ =	shalt  }
0x75: {  	_ =	shalt  }
0x76: {  	_ =	shalt  }
0x77: {  	_ =	shalt  }
0x78: {  	_ =	shalt  }
0x79: {  	_ =	shalt  }
0x7a: {  	_ =	shalt  }
0x7b: {  	_ =	shalt  }
0x7c: {  	_ =	shalt  }
0x7d: {  	_ =	shalt  }
0x7e: {  	_ =	shalt  }
0x7f: {  	_ =	shalt  }
0x80: {  	_ =	shalt  }
0x81: {  	_ =	shalt  }
0x82: {  	_ =	shalt  }
0x83: {  	_ =	shalt  }
0x84: {  	_ =	shalt  }
0x85: {  	_ =	shalt  }
0x86: {  	_ =	shalt  }
0x87: {  	_ =	shalt  }
.Lfunc_end0:
.L_simem_size_0:
called_computation_lowered:
.L_overlay_start_0:
0x88: {  	s2 =	sld [smem:$0x3FD9]  }
0x89: {  	s3 =	sld [smem:$0x3FFE];
	_ =	sdelay $0x1  }
0x8a: {  	s1 =	srdreg.scid  }
0x8b: {  	s0 =	sand.u32 $0x1, s1  }
0x8c: {  	s15 =	sshll.u32 s0, $0xA;
	s2 =	sadd.s32 s3, s2  }
0x8d: {  	s2 =	sadd.s32 s2, s15  }
0x8e: {  	[smem:$0x3FC5] =	sst s2  }
0x8f: {  	_ = 	snop  }
0x90: {  	s2 =	sld [smem:$0x3FD0];
	_ =	sdelay $0x2  }
0x91: {  	s4 =	simm.s32 $0xA;
	s5 =	simm.s32 $0x10;
	s16 =	sld [smem:$0x3FC9]  }
0x92: {  	[smem:s5], [sflag:s4] =	dma.local [hbm:s2], $0x1  }
0x93: {  	_ =	swait.eq [sflag:s4], $0x1  }
0x94: {  	[sflag:s4] =	ssyncset.done $0x0  }
0x95: {  	s17 =	sld [smem:$0x10];
	[sflag:s4] =	ssyncadd.s32 $0xFFFFFFFF  }
0x96: {  	s18 =	sld [smem:$0x11];
	(tm) =	ssettm $0x1  }
0x97: {  	s19 =	sld [smem:$0x3FFB];
	_ =	sdelay $0x3  }
0x98: {  	_ =	strace s19  }
0x99: {  	s5 =	sld [smem:$0x3FFC];
	_ =	sdelay $0x3  }
0x9a: {  	_ =	strace s5  }
0x9b: {  	s5 =	sld [smem:$0x3FFD];
	_ =	sdelay $0x3  }
0x9c: {  	_ =	strace s5  }
0x9d: {  	_ =	strace $0x8FFFFFFF  }
0x9e: {  	s20 =	sld [smem:$0x3FDB];
	_ =	sdelay $0x1  }
0x9f: {  	s6 =	simm.s32 $_scs_section_size  }
0xa0: {  	s7 =	simm.s32 $_size__tile_overlayer_lowered;
	s8 =	simm.s32 $_tile_overlayer_lowered  }
0xa1: {  	s23 =	simm.s32 $0x1BFF;
	s22 =	sshll.u32 s8, $0x1;
	s5 =	sadd.s32 s6, s20  }
0xa2: {  	s9 =	simm.s32 $0x0;
	s21 =	sshll.u32 s7, $0x1;
	s7 =	sadd.s32 s22, s5  }
0xa3: {  	[timem:s9], [sflag:s23] =	dma.local [hbm:s7], s21  }
0xa4: {  	_ =	swait.ge [sflag:s23], s21  }
0xa5: {  	s6 =	ssub.s32 $0x0, s21;
	[sflag:s23] =	ssyncset.done $0x0  }
0xa6: {  	[sflag:s23] =	ssyncadd.s32 s6;
	_ =	sdelay $0x1  }
0xa7: {  	s24 =	simm.s32 $0x1B8B  }
0xa8: {  	_ =	swait.ge [sflag:s24], $0x1  }
0xa9: {  	[sflag:s24] =	ssyncset.done $0x0  }
0xaa: {  	s25 =	simm.s32 $0x1B8E;
	[sflag:s24] =	ssyncadd.s32 $0xFFFFFFFF  }
0xab: {  	s26 =	simm.s32 $execute0_lowered;
	[smem:$0x3FD2] =	sst s25  }
0xac: {  	s6 =	sshll.u32 s26, $0x1;
	_ =	strace $0x80000046;
	[dreg:$0x1] =	wrdreg $0xFFFFFFFF  }
0xad: {  	s28 =	simm.s32 $_size_execute0_lowered;
	s5 =	sadd.s32 s5, s6;
	[dreg:$0x0] =	wrdreg $0x0  }
0xae: {  	s6 =	sshll.u32 s28, $0x1;
	[dreg:$0x2] =	wrdreg s5  }
0xaf: {  	[dreg:$0x3] =	wrdreg s6  }
0xb0: {  	[dreg:$0x4] =	wrdreg $0xC0  }
0xb1: {  	_ =	task [dreg:s9], $0x5FFFF  }
0xb2: {  	[dreg:$0x1] =	wrdreg $0xFFFFFFFF  }
0xb3: {  	[dreg:$0x0] =	wrdreg $0x60  }
0xb4: {  	[dreg:$0x2] =	wrdreg s16  }
0xb5: {  	[dreg:$0x3] =	wrdreg s18  }
0xb6: {  	[dreg:$0x4] =	wrdreg s17  }
0xb7: {  	[dreg:$0x5] =	wrdreg $0x9  }
0xb8: {  	_ =	task.clear_ibuf [dreg:s9], $0x6FFFF;
	_ =	strace $0x90000046  }
0xb9: {  	s29 =	simm.s32 $0x9;
	_ =	strace $0x80000048  }
0xba: {  	_ =	swait.ge [sflag:s29], $0x1  }
0xbb: {  	[sflag:s29] =	ssyncadd.s32 $0xFFFFFFFF  }
0xbc: {  	_ =	strace $0x90000048  }
0xbd: {  	_ =	sfence  }
0xbe: {  	s30 =	sld [smem:$0x0];
	_ =	sdelay $0x2  }
0xbf: {  	s31 =	sshll.u32 s1, $0xD;
	s1 =	sshrl.u32 s1, $0x2  }
0xc0: {  	s3 =	sand.u32 $0x4000, s31;
	s1 =	sadd.s32 s1, s30  }
0xc1: {  	s0 =	sor.u32 s3, s0;
	s1 =	sshll.u32 s1, $0x11  }
0xc2: {  	s0 =	sor.u32 s1, s0  }
0xc3: {  	s0 =	sadd.s32 $0x8F2B, s0  }
0xc4: {  	[sflag:s0] =	ssyncadd.remote.s32 $0x1  }
0xc5: {  	_ =	sfence.sel $0xFFFF  }
0xc6: {  	[dreg:$0x0] =	wrdreg $0xFFFFFFFF;
	(pc) =	sbr.abs _section_cstart, $3  }
0xc7: {  	[dreg:$0x1] =	wrdreg $0xFFFFFFFF  }
0xc8: {  	_ =	task.clear_ibuf [dreg:s9], $0x2FFFF;
	_ =	strace $0x9FFFFFFF  }
0xc9: {  	(tm) =	ssettm $0x7FFFFFFF  }
tec
execute0_lowered:
.L_overlay_start_1:
0x0: {  	(tag) =	ssettag $0x1  }
0x1: {  	v8 =	vlaneseq.u32  }
0x2: {  	v0 =	vmul.u32 $0x8, v8;
	v15 =	vshrl.u32 v8, $0x3  }
0x3: {  	v24 =	vand.u32 $0x7, v8;
	v8 =	vor.u32 $0x9C0, v15  }
0x4: {  	v9 =	vor.u32 $0x4E00, v0;
	[tilespmem:$0x1FF80] =	vst v8  }
0x5: {  	v17 =	vor.u32 $0x2, v15;
	v57 =	vor.u32 $0x4E01, v0;
	[tilespmem:$0x1FF00] =	vst v9  }
0x6: {  	v18 =	vor.u32 $0x4, v15;
	v19 =	vor.u32 $0x6, v15;
	v58 =	vor.u32 $0x4E02, v0;
	[tilespmem:$0x1FF10] =	vst v57  }
0x7: {  	v20 =	vor.u32 $0x8, v15;
	v21 =	vor.u32 $0xA, v15;
	v59 =	vor.u32 $0x4E03, v0;
	[tilespmem:$0x1FF20] =	vst v58  }
0x8: {  	s1 =	srdreg.scid;
	v22 =	vor.u32 $0xC, v15;
	v23 =	vor.u32 $0xE, v15;
	v60 =	vor.u32 $0x4E04, v0;
	[tilespmem:$0x1FF30] =	vst v59  }
0x9: {  	s0 =	stileid.u32;
	s5 =	rddreg [dreg:$0x0];
	v41 =	vor.u32 $0x1390, v15;
	v42 =	vor.u32 $0x1392, v15;
	v61 =	vor.u32 $0x4E05, v0;
	[tilespmem:$0x1FF40] =	vst v60  }
0xa: {  	s7 =	rddreg [dreg:$0x2];
	s3 =	simm.s32 $0x0;
	s10 =	simm.s32 $0x9D00;
	v43 =	vor.u32 $0x1394, v15;
	v44 =	vor.u32 $0x1396, v15;
	v62 =	vor.u32 $0x4E06, v0;
	[tilespmem:$0x1FF50] =	vst v61  }
0xb: {  	s11 =	simm.s32 $0x3;
	s4 =	sand.u32 $0x1, s1;
	s31 =	sshll.u32 s0, $0x1;
	v45 =	vor.u32 $0x1398, v15;
	v46 =	vor.u32 $0x139A, v15;
	v63 =	vor.u32 $0x4E07, v0;
	[tilespmem:$0x1FF60] =	vst v62  }
0xc: {  	s12 =	simm.s32 $0x1;
	s13 =	simm.s32 $0xA500;
	s2 =	sor.u32 s4, s31;
	v47 =	vor.u32 $0x139C, v15;
	v48 =	vor.u32 $0x139E, v15;
	v8 =	vor.u32 $0x9C2, v15;
	[tilespmem:$0x1FF70] =	vst v63  }
0xd: {  	s14 =	simm.s32 $0xB8A0;
	s15 =	simm.s32 $0x10720;
	v1 =	vor.u32 $0x1, v0;
	v2 =	vor.u32 $0x2, v0;
	s6 =	smul.u32 $0x139, s2;
	[tilespmem:$0x1FF90] =	vst v8;
	v8 =	vor.u32 $0x9C4, v15  }
0xe: {  	s16 =	simm.s32 $0x2;
	s17 =	simm.s32 $0x0;
	s4 =	ssub.s32 $0x2, s4;
	v3 =	vor.u32 $0x3, v0;
	v4 =	vor.u32 $0x4, v0;
	[tilespmem:$0x1FFA0] =	vst v8;
	v8 =	vor.u32 $0x9C6, v15  }
0xf: {  	s1 =	rddreg [dreg:$0x1];
	v5 =	vor.u32 $0x5, v0;
	v6 =	vor.u32 $0x6, v0;
	s8 =	sshrl.u32 s4, $0x1;
	s6 =	smin.u32 s6, $0x25D6;
	[tilespmem:$0x1FFB0] =	vst v8;
	v8 =	vor.u32 $0x9C8, v15  }
0x10: {  	[smem:$0x7FF] =	sst s3;
	v7 =	vor.u32 $0x7, v0;
	v33 =	vor.u32 $0x9C80, v0;
	s8 =	ssub.s32 s4, s8;
	s6 =	sshll.u32 s6, $0x4;
	[tilespmem:$0x1FFC0] =	vst v8;
	v8 =	vor.u32 $0x9CA, v15  }
0x11: {  	s2 =	rddreg [dreg:$0x3];
	v34 =	vor.u32 $0x9C81, v0;
	v35 =	vor.u32 $0x9C82, v0;
	s8 =	smax.u32 s8, $0x1;
	s9 =	sadd.s32 $0x9D0, s6;
	[tilespmem:$0x1FFD0] =	vst v8;
	v8 =	vor.u32 $0x9CC, v15  }
0x12: {  	v36 =	vor.u32 $0x9C83, v0;
	v37 =	vor.u32 $0x9C84, v0;
	s4 =	sadd.s32 s5, s6;
	s6 =	sadd.s32 s7, s6;
	_ =	strace $0x80000047;
	[tilespmem:$0x1FFE0] =	vst v8;
	v8 =	vor.u32 $0x9CE, v15  }
0x13: {  	v38 =	vor.u32 $0x9C85, v0;
	v39 =	vor.u32 $0x9C86, v0;
	v40 =	vor.u32 $0x9C87, v0;
	s5 =	sadd.s32 s5, s9;
	s7 =	sadd.s32 s7, s9;
	s9 =	simm.s32 $0x4E80;
	[tilespmem:$0x1FFF0] =	vst v8  }
.LBB2_1:
0x14: {  	[tilespmem:s3], [sflag:$0x1] =	stream.linear.gather [hbm4b:s4+s3], $0x4E80, $0x38;
	[tilespmem:$0x155A0] =	vst v63  }
0x15: {  	_ = 	snop  }
0x16: {  	[tilespmem:s9], [sflag:$0x1] =	stream.linear.gather [hbm4b:s5+s3], $0x4E80, $0x38;
	[tilespmem:$0x155A0] =	vst v63  }
0x17: {  	_ = 	snop  }
0x18: {  	[tilespmem:s10], [sflag:$0x3] =	stream.linear.gather [hbm4b:s1+s3], $0x800, $0x38;
	[tilespmem:$0x155A0] =	vst v63  }
0x19: {  	s18 =	simm.s32 $0x80;
	_ =	swait.ge [sflag:s11], $0x800  }
0x1a: {  	s19 =	simm.s32 $0x0;
	v8 =	vor.u32 s18, v1;
	[sflag:s11] =	ssyncset.done $0x0  }
0x1b: {  	v9 =	vor.u32 s19, v0;
	[sflag:s11] =	ssyncadd.s32 $0xFFFFF800  }
0x1c: {  	v49 =	vor.u32 s19, v1;
	_ =	swait.ge [sflag:s12], $0x4E80  }
0x1d: {  	v50 =	vor.u32 s19, v2;
	[sflag:s12] =	ssyncset.done $0x0  }
0x1e: {  	v51 =	vor.u32 s19, v3;
	[sflag:s12] =	ssyncadd.s32 $0xFFFFB180  }
0x1f: {  	v52 =	vor.u32 s19, v4;
	v8 =	vld.idx.msk [tilespmem:v8+s3+$0x0], $0xffff  }
0x20: {  	v53 =	vor.u32 s19, v5;
	v9 =	vld.idx.msk [tilespmem:v9+s3+$0x0], $0xffff  }
0x21: {  	v54 =	vor.u32 s19, v6;
	v49 =	vld.idx.msk [tilespmem:v49+s3+$0x0], $0xffff  }
0x22: {  	v55 =	vor.u32 s19, v7;
	v50 =	vld.idx.msk [tilespmem:v50+s3+$0x0], $0xffff  }
0x23: {  	v56 =	vor.u32 s18, v0;
	v51 =	vld.idx.msk [tilespmem:v51+s3+$0x0], $0xffff  }
0x24: {  	v57 =	vor.u32 s18, v2;
	v52 =	vld.idx.msk [tilespmem:v52+s3+$0x0], $0xffff  }
0x25: {  	v58 =	vor.u32 s18, v3;
	v53 =	vld.idx.msk [tilespmem:v53+s3+$0x0], $0xffff  }
0x26: {  	v59 =	vor.u32 s18, v4;
	v54 =	vld.idx.msk [tilespmem:v54+s3+$0x0], $0xffff  }
0x27: {  	v60 =	vor.u32 s18, v5;
	v55 =	vld.idx.msk [tilespmem:v55+s3+$0x0], $0xffff  }
0x28: {  	v62 =	vor.u32 s18, v7;
	v56 =	vld.idx.msk [tilespmem:v56+s3+$0x0], $0xffff  }
0x29: {  	s30 =	simm.s32 $0x180;
	s31 =	simm.s32 $0x100;
	v61 =	vor.u32 s18, v6;
	v57 =	vld.idx.msk [tilespmem:v57+s3+$0x0], $0xffff  }
0x2a: {  	v28 =	vor.u32 s31, v2;
	v11 =	vor.u32 s30, v0;
	v58 =	vld.idx.msk [tilespmem:v58+s3+$0x0], $0xffff  }
0x2b: {  	v13 =	vor.u32 s30, v2;
	v16 =	vor.u32 s31, v6;
	v26 =	vor.u32 s31, v7;
	v59 =	vld.idx.msk [tilespmem:v59+s3+$0x0], $0xffff  }
0x2c: {  	v63 =	vld.idx.msk [tilespmem:v60+s3+$0x0], $0xffff;
	v49 =	vshll.u32 v49, $0x1;
	v29 =	vshll.u32 v50, $0x2;
	v50 =	vor.u32 s30, v1  }
0x2d: {  	v62 =	vld.idx.msk [tilespmem:v62+s3+$0x0], $0xffff;
	v30 =	vshll.u32 v51, $0x3;
	v51 =	vor.u32 s31, v0;
	v9 =	vadd.s32 v9, v49  }
0x2e: {  	v61 =	vld.idx.msk [tilespmem:v61+s3+$0x0], $0xffff;
	v31 =	vshll.u32 v52, $0x4;
	v52 =	vor.u32 s31, v1;
	v9 =	vadd.s32 v29, v9  }
0x2f: {  	v25 =	vld.idx.msk [tilespmem:v28+s3+$0x0], $0xffff;
	v8 =	vshll.u32 v8, $0x1;
	v9 =	vadd.s32 v30, v9;
	v30 =	vor.u32 s31, v3  }
0x30: {  	v32 =	vshll.u32 v53, $0x5;
	v60 =	vshll.u32 v57, $0x2;
	v57 =	vld.idx.msk [tilespmem:v16+s3+$0x0], $0xffff;
	v9 =	vadd.s32 v31, v9  }
0x31: {  	v53 =	vor.u32 s30, v4;
	v9 =	vadd.s32 v32, v9;
	v32 =	vor.u32 s31, v4;
	v10 =	vld.idx.msk [tilespmem:v50+s3+$0x0], $0xffff  }
0x32: {  	v16 =	vshll.u32 v62, $0x7;
	v8 =	vadd.s32 v56, v8;
	v12 =	vld.idx.msk [tilespmem:v51+s3+$0x0], $0xffff;
	v50 =	vor.u32 s31, v5  }
0x33: {  	v49 =	vor.u32 s30, v3;
	v29 =	vshll.u32 v54, $0x6;
	v8 =	vadd.s32 v60, v8;
	v14 =	vld.idx.msk [tilespmem:v52+s3+$0x0], $0xffff  }
0x34: {  	v31 =	vshll.u32 v55, $0x7;
	v9 =	vadd.s32 v29, v9;
	v27 =	vld.idx.msk [tilespmem:v30+s3+$0x0], $0xffff;
	v30 =	vshll.u32 v58, $0x3  }
0x35: {  	v9 =	vadd.s32 v31, v9;
	v31 =	vshll.u32 v59, $0x4;
	v8 =	vadd.s32 v30, v8  }
0x36: {  	v51 =	vor.u32 s30, v5;
	v60 =	vld.idx.msk [tilespmem:v32+s3+$0x0], $0xffff;
	v32 =	vshll.u32 v63, $0x5;
	v8 =	vadd.s32 v31, v8  }
0x37: {  	v52 =	vor.u32 s30, v6;
	v59 =	vld.idx.msk [tilespmem:v50+s3+$0x0], $0xffff;
	v63 =	vshll.u32 v61, $0x6;
	v8 =	vadd.s32 v32, v8  }
0x38: {  	s18 =	simm.s32 $0xA510;
	v56 =	vld.idx.msk [tilespmem:v26+s3+$0x0], $0xffff;
	v50 =	vor.u32 s30, v7;
	v14 =	vshll.u32 v14, $0x1;
	v8 =	vadd.s32 v63, v8  }
0x39: {  	v55 =	vld.idx.msk [tilespmem:v11+s3+$0x0], $0xffff;
	[tilespmem:s18+$0xFFFFFFF0] =	vst v9;
	v9 =	vadd.s32 v12, v14;
	v12 =	vshll.u32 v25, $0x2;
	v11 =	vadd.s32 v16, v8  }
0x3a: {  	s20 =	simm.s32 $0x280;
	s19 =	simm.s32 $0x2;
	v58 =	vld.idx.msk [tilespmem:v13+s3+$0x0], $0xffff;
	v54 =	vshll.u32 v10, $0x1;
	v8 =	vadd.s32 v12, v9;
	v9 =	vshll.u32 v27, $0x3;
	[tilespmem:s18+$0x0] =	vst v11  }
.LBB2_2:
0x3b: {  	s21 =	sadd.s32 $0xFFFFFF80, s20;
	v10 =	vor.u32 s20, v1;
	v8 =	vadd.s32 v9, v8;
	v9 =	vshll.u32 v60, $0x4;
	v11 =	vld.idx.msk [tilespmem:v49+s3+$0x0], $0xffff  }
0x3c: {  	s19 =	sadd.s32 $0x2, s19;
	v12 =	vor.u32 s21, v0;
	v8 =	vadd.s32 v9, v8;
	v9 =	vshll.u32 v59, $0x5;
	v13 =	vld.idx.msk [tilespmem:v53+s3+$0x0], $0xffff  }
0x3d: {  	v14 =	vor.u32 s21, v1;
	p0 =	slt.u32 s19, $0x9A;
	v8 =	vadd.s32 v9, v8;
	v9 =	vshll.u32 v57, $0x6;
	v16 =	vld.idx.msk [tilespmem:v51+s3+$0x0], $0xffff  }
0x3e: {  	v25 =	vor.u32 s21, v2;
	v8 =	vadd.s32 v9, v8;
	v9 =	vshll.u32 v56, $0x7;
	v26 =	vld.idx.msk [tilespmem:v52+s3+$0x0], $0xffff  }
0x3f: {  	v61 =	vor.u32 s20, v0;
	s18 =	sadd.s32 $0x20, s18;
	v27 =	vor.u32 s21, v3;
	v8 =	vadd.s32 v9, v8;
	v9 =	vld.idx.msk [tilespmem:v50+s3+$0x0], $0xffff  }
0x40: {  	v62 =	vor.u32 s20, v2;
	v49 =	vor.u32 s20, v3;
	v56 =	vor.u32 s21, v4;
	v10 =	vld.idx.msk [tilespmem:v10+s3+$0x0], $0xffff;
	[tilespmem:s18+$0xFFFFFFF0] =	vst v8  }
0x41: {  	v53 =	vor.u32 s20, v4;
	v51 =	vor.u32 s20, v5;
	v8 =	vld.idx.msk [tilespmem:v12+s3+$0x0], $0xffff;
	v12 =	vor.u32 s21, v5  }
0x42: {  	v57 =	vor.u32 s21, v6;
	v52 =	vor.u32 s20, v6;
	v50 =	vor.u32 s20, v7;
	v14 =	vld.idx.msk [tilespmem:v14+s3+$0x0], $0xffff  }
0x43: {  	v63 =	vor.u32 s21, v7;
	v54 =	vadd.s32 v55, v54;
	v55 =	vshll.u32 v58, $0x2;
	v25 =	vld.idx.msk [tilespmem:v25+s3+$0x0], $0xffff  }
0x44: {  	v54 =	vadd.s32 v55, v54;
	v11 =	vshll.u32 v11, $0x3;
	v13 =	vshll.u32 v13, $0x4;
	v27 =	vld.idx.msk [tilespmem:v27+s3+$0x0], $0xffff  }
0x45: {  	v11 =	vadd.s32 v11, v54;
	v16 =	vshll.u32 v16, $0x5;
	v26 =	vshll.u32 v26, $0x6;
	v60 =	vld.idx.msk [tilespmem:v56+s3+$0x0], $0xffff  }
.Ltmp0:
0x46: {  	v9 =	vshll.u32 v9, $0x7;
	v54 =	vshll.u32 v10, $0x1;
	v10 =	vadd.s32 v13, v11;
	v59 =	vld.idx.msk [tilespmem:v12+s3+$0x0], $0xffff;
	(pc) =	sbr.rel @p0 .LBB2_2-.Ltmp0, $4  }
0x47: {  	v10 =	vadd.s32 v16, v10;
	v57 =	vld.idx.msk [tilespmem:v57+s3+$0x0], $0xffff  }
0x48: {  	v11 =	vshll.u32 v14, $0x1;
	v10 =	vadd.s32 v26, v10;
	v56 =	vld.idx.msk [tilespmem:v63+s3+$0x0], $0xffff  }
0x49: {  	v8 =	vadd.s32 v8, v11;
	v11 =	vshll.u32 v25, $0x2;
	v10 =	vadd.s32 v9, v10;
	v55 =	vld.idx.msk [tilespmem:v61+s3+$0x0], $0xffff  }
0x4a: {  	s20 =	sadd.s32 $0x100, s20;
	v8 =	vadd.s32 v11, v8;
	v9 =	vshll.u32 v27, $0x3;
	v58 =	vld.idx.msk [tilespmem:v62+s3+$0x0], $0xffff;
	[tilespmem:s18+$0x0] =	vst v10  }
0x4b: {  	_ =	sdelay $0x3  }
0x4c: {  	v10 =	vld.idx.msk [tilespmem:v49+s3+$0x0], $0xffff  }
0x4d: {  	v11 =	vld.idx.msk [tilespmem:v53+s3+$0x0], $0xffff  }
0x4e: {  	v8 =	vadd.s32 v9, v8;
	v9 =	vshll.u32 v60, $0x4;
	v12 =	vld.idx.msk [tilespmem:v51+s3+$0x0], $0xffff  }
0x4f: {  	v8 =	vadd.s32 v9, v8;
	v9 =	vld.idx.msk [tilespmem:v52+s3+$0x0], $0xffff  }
0x50: {  	v13 =	vshll.u32 v59, $0x5;
	v14 =	vld.idx.msk [tilespmem:v50+s3+$0x0], $0xffff;
	v16 =	vadd.s32 v55, v54;
	v25 =	vshll.u32 v58, $0x2  }
0x51: {  	v8 =	vadd.s32 v13, v8;
	v13 =	vadd.s32 v25, v16;
	v10 =	vshll.u32 v10, $0x3  }
0x52: {  	v16 =	vshll.u32 v57, $0x6;
	v11 =	vshll.u32 v11, $0x4;
	v10 =	vadd.s32 v10, v13  }
0x53: {  	v12 =	vshll.u32 v12, $0x5;
	v8 =	vadd.s32 v16, v8;
	v10 =	vadd.s32 v11, v10  }
0x54: {  	v9 =	vshll.u32 v9, $0x6;
	v11 =	vshll.u32 v56, $0x7;
	v10 =	vadd.s32 v12, v10  }
0x55: {  	s18 =	sadd.s32 $0x20, s18;
	v8 =	vadd.s32 v11, v8;
	v11 =	vshll.u32 v14, $0x7;
	v9 =	vadd.s32 v9, v10  }
0x56: {  	[tilespmem:s18+$0xFFFFFFF0] =	vst v8;
	v8 =	vadd.s32 v11, v9  }
0x57: {  	[tilespmem:s18+$0x0] =	vst v8  }
0x58: {  	v8 =	vld [tilespmem:$0x1FF00]  }
0x59: {  	v9 =	vld [tilespmem:$0x1FF10]  }
0x5a: {  	v10 =	vld [tilespmem:$0x1FF20];
	_ =	sdelay $0x4  }
0x5b: {  	s29 =	simm.s32 $0x0  }
0x5c: {  	v8 =	vld.idx.msk [tilespmem:v8+s29+$0x0], $0xffff  }
0x5d: {  	v9 =	vld.idx.msk [tilespmem:v9+s29+$0x0], $0xffff  }
0x5e: {  	v10 =	vld.idx.msk [tilespmem:v10+s29+$0x0], $0xffff  }
0x5f: {  	v11 =	vld [tilespmem:$0x1FF30]  }
0x60: {  	v12 =	vld [tilespmem:$0x1FF40]  }
0x61: {  	v13 =	vld [tilespmem:$0x1FF50]  }
0x62: {  	v14 =	vld [tilespmem:$0x1FF60];
	v9 =	vshll.u32 v9, $0x1  }
0x63: {  	v8 =	vadd.s32 v8, v9;
	v9 =	vshll.u32 v10, $0x2;
	v10 =	vld [tilespmem:$0x1FF70];
	_ =	sdelay $0x3  }
0x64: {  	v11 =	vld.idx.msk [tilespmem:v11+s29+$0x0], $0xffff  }
0x65: {  	v12 =	vld.idx.msk [tilespmem:v12+s29+$0x0], $0xffff  }
0x66: {  	v13 =	vld.idx.msk [tilespmem:v13+s29+$0x0], $0xffff  }
0x67: {  	v14 =	vld.idx.msk [tilespmem:v14+s29+$0x0], $0xffff  }
0x68: {  	v10 =	vld.idx.msk [tilespmem:v10+s29+$0x0], $0xffff  }
0x69: {  	v8 =	vadd.s32 v9, v8;
	v9 =	vshll.u32 v11, $0x3  }
0x6a: {  	v8 =	vadd.s32 v9, v8;
	v9 =	vshll.u32 v12, $0x4  }
0x6b: {  	s19 =	simm.s32 $0x10;
	v11 =	vor.u32 s29, v17;
	v8 =	vadd.s32 v9, v8;
	v9 =	vshll.u32 v13, $0x5  }
0x6c: {  	v12 =	vor.u32 s19, v15;
	v8 =	vadd.s32 v9, v8;
	v9 =	vshll.u32 v14, $0x6  }
0x6d: {  	v13 =	vor.u32 s19, v19;
	v8 =	vadd.s32 v9, v8;
	v9 =	vshll.u32 v10, $0x7  }
0x6e: {  	v14 =	vor.u32 s19, v20;
	v8 =	vadd.s32 v9, v8  }
0x6f: {  	v16 =	vor.u32 s19, v21;
	[tilespmem:$0xAEC0] =	vst v8  }
0x70: {  	v25 =	vor.u32 s19, v22;
	v11 =	vld.idx.msk [tilespmem:v11+s13+$0x0], $0xffff  }
0x71: {  	v26 =	vor.u32 s29, v15;
	v12 =	vld.idx.msk [tilespmem:v12+s13+$0x0], $0xffff  }
0x72: {  	v27 =	vor.u32 s29, v18;
	v13 =	vld.idx.msk [tilespmem:v13+s13+$0x0], $0xffff  }
0x73: {  	v59 =	vor.u32 s29, v19;
	v14 =	vld.idx.msk [tilespmem:v14+s13+$0x0], $0xffff  }
0x74: {  	v60 =	vor.u32 s29, v20;
	v16 =	vld.idx.msk [tilespmem:v16+s13+$0x0], $0xffff  }
0x75: {  	v61 =	vor.u32 s29, v21;
	v25 =	vld.idx.msk [tilespmem:v25+s13+$0x0], $0xffff  }
0x76: {  	v62 =	vor.u32 s29, v22;
	v26 =	vld.idx.msk [tilespmem:v26+s13+$0x0], $0xffff  }
0x77: {  	s31 =	simm.s32 $0x30;
	v63 =	vor.u32 s29, v23;
	v27 =	vld.idx.msk [tilespmem:v27+s13+$0x0], $0xffff  }
0x78: {  	v30 =	vor.u32 s31, v17;
	v49 =	vld.idx.msk [tilespmem:v59+s13+$0x0], $0xffff  }
0x79: {  	v31 =	vor.u32 s31, v18;
	v50 =	vld.idx.msk [tilespmem:v60+s13+$0x0], $0xffff  }
0x7a: {  	s30 =	simm.s32 $0x20;
	v32 =	vor.u32 s31, v20;
	v54 =	vld.idx.msk [tilespmem:v61+s13+$0x0], $0xffff  }
0x7b: {  	v28 =	vor.u32 s30, v18;
	v55 =	vld.idx.msk [tilespmem:v62+s13+$0x0], $0xffff  }
0x7c: {  	v29 =	vor.u32 s30, v19;
	v56 =	vld.idx.msk [tilespmem:v63+s13+$0x0], $0xffff  }
0x7d: {  	v10 =	vor.u32 s19, v23;
	v57 =	vld.idx.msk [tilespmem:v30+s13+$0x0], $0xffff  }
0x7e: {  	v9 =	vor.u32 s19, v17;
	v58 =	vld.idx.msk [tilespmem:v31+s13+$0x0], $0xffff  }
0x7f: {  	v8 =	vor.u32 s19, v18;
	v60 =	vld.idx.msk [tilespmem:v32+s13+$0x0], $0xffff  }
0x80: {  	v59 =	vor.u32 s31, v19;
	v28 =	vld.idx.msk [tilespmem:v28+s13+$0x0], $0xffff  }
0x81: {  	v61 =	vor.u32 s31, v21;
	v29 =	vld.idx.msk [tilespmem:v29+s13+$0x0], $0xffff  }
0x82: {  	v62 =	vor.u32 s31, v22;
	v10 =	vld.idx.msk [tilespmem:v10+s13+$0x0], $0xffff  }
0x83: {  	v63 =	vor.u32 s30, v15;
	v9 =	vld.idx.msk [tilespmem:v9+s13+$0x0], $0xffff;
	v12 =	vshll.u32 v12, $0x3  }
0x84: {  	v8 =	vld.idx.msk [tilespmem:v8+s13+$0x0], $0xffff;
	v13 =	vshll.u32 v13, $0x3;
	v12 =	vor.u32 v24, v12  }
0x85: {  	v14 =	vshll.u32 v14, $0x3;
	v59 =	vld.idx.msk [tilespmem:v59+s13+$0x0], $0xffff;
	v13 =	vor.u32 v24, v13  }
0x86: {  	v11 =	vshll.u32 v11, $0x3;
	v61 =	vld.idx.msk [tilespmem:v61+s13+$0x0], $0xffff;
	v14 =	vor.u32 v24, v14  }
0x87: {  	v27 =	vshll.u32 v27, $0x3;
	v62 =	vld.idx.msk [tilespmem:v62+s13+$0x0], $0xffff;
	v11 =	vor.u32 v24, v11  }
0x88: {  	v16 =	vshll.u32 v16, $0x3;
	v63 =	vld.idx.msk [tilespmem:v63+s13+$0x0], $0xffff;
	v27 =	vor.u32 v24, v27  }
0x89: {  	v25 =	vshll.u32 v25, $0x3;
	v16 =	vor.u32 v24, v16;
	v12 =	vld.idx.msk [tilespmem:v12+s10+$0x0], $0xffff  }
0x8a: {  	v26 =	vshll.u32 v26, $0x3;
	v25 =	vor.u32 v24, v25;
	v13 =	vld.idx.msk [tilespmem:v13+s10+$0x0], $0xffff  }
0x8b: {  	v26 =	vor.u32 v24, v26;
	v14 =	vld.idx.msk [tilespmem:v14+s10+$0x0], $0xffff  }
0x8c: {  	v53 =	vld.idx.msk [tilespmem:v11+s10+$0x0], $0xffff;
	v11 =	vor.u32 s31, v15  }
0x8d: {  	v49 =	vshll.u32 v49, $0x3;
	v52 =	vld.idx.msk [tilespmem:v27+s10+$0x0], $0xffff;
	v27 =	vor.u32 s31, v23  }
0x8e: {  	v49 =	vor.u32 v24, v49;
	v8 =	vshll.u32 v8, $0x3;
	v16 =	vld.idx.msk [tilespmem:v16+s10+$0x0], $0xffff  }
0x8f: {  	v58 =	vshll.u32 v58, $0x3;
	v8 =	vor.u32 v24, v8;
	v25 =	vld.idx.msk [tilespmem:v25+s10+$0x0], $0xffff  }
0x90: {  	v58 =	vor.u32 v24, v58;
	v9 =	vshll.u32 v9, $0x3;
	v51 =	vld.idx.msk [tilespmem:v26+s10+$0x0], $0xffff  }
0x91: {  	v10 =	vshll.u32 v10, $0x3;
	v9 =	vor.u32 v24, v9;
	v11 =	vld.idx.msk [tilespmem:v11+s13+$0x0], $0xffff  }
0x92: {  	v10 =	vor.u32 v24, v10;
	v27 =	vld.idx.msk [tilespmem:v27+s13+$0x0], $0xffff  }
0x93: {  	v59 =	vshll.u32 v59, $0x3;
	v26 =	vor.u32 s30, v17;
	v49 =	vld.idx.msk [tilespmem:v49+s10+$0x0], $0xffff  }
0x94: {  	v30 =	vshll.u32 v62, $0x3;
	v59 =	vor.u32 v24, v59;
	v8 =	vld.idx.msk [tilespmem:v8+s10+$0x0], $0xffff  }
0x95: {  	v57 =	vshll.u32 v57, $0x3;
	v31 =	vor.u32 v24, v30;
	v58 =	vld.idx.msk [tilespmem:v58+s10+$0x0], $0xffff  }
0x96: {  	v57 =	vor.u32 v24, v57;
	v9 =	vld.idx.msk [tilespmem:v9+s10+$0x0], $0xffff;
	v11 =	vshll.u32 v11, $0x3  }
0x97: {  	s18 =	simm.s32 $0xB920;
	v10 =	vld.idx.msk [tilespmem:v10+s10+$0x0], $0xffff;
	v27 =	vshll.u32 v27, $0x3;
	v11 =	vor.u32 v24, v11  }
0x98: {  	v26 =	vld.idx.msk [tilespmem:v26+s13+$0x0], $0xffff;
	[tilespmem:s18+$0x0] =	vst v12;
	v27 =	vor.u32 v24, v27  }
0x99: {  	v32 =	vshll.u32 v61, $0x3;
	v59 =	vld.idx.msk [tilespmem:v59+s10+$0x0], $0xffff;
	[tilespmem:s18+$0x20] =	vst v8;
	v8 =	vor.u32 s30, v20  }
0x9a: {  	v12 =	vor.u32 v24, v32;
	[tilespmem:s18+$0x30] =	vst v13;
	v32 =	vshll.u32 v63, $0x3;
	v63 =	vld.idx.msk [tilespmem:v31+s10+$0x0], $0xffff  }
0x9b: {  	v60 =	vshll.u32 v60, $0x3;
	v13 =	vor.u32 s30, v21;
	[tilespmem:s18+$0x10] =	vst v9;
	v9 =	vld.idx.msk [tilespmem:v57+s10+$0x0], $0xffff  }
0x9c: {  	v50 =	vshll.u32 v50, $0x3;
	[tilespmem:s18+$0x70] =	vst v10;
	v10 =	vld.idx.msk [tilespmem:v11+s10+$0x0], $0xffff;
	v11 =	vor.u32 v24, v60  }
0x9d: {  	v50 =	vor.u32 v24, v50;
	[tilespmem:s18+$0x40] =	vst v14;
	v27 =	vld.idx.msk [tilespmem:v27+s10+$0x0], $0xffff  }
0x9e: {  	[tilespmem:s18+$0x50] =	vst v16;
	v16 =	vor.u32 s30, v23;
	v8 =	vld.idx.msk [tilespmem:v8+s13+$0x0], $0xffff  }
0x9f: {  	v14 =	vor.u32 s30, v22;
	[tilespmem:s18+$0x60] =	vst v25;
	v12 =	vld.idx.msk [tilespmem:v12+s10+$0x0], $0xffff;
	v25 =	vshll.u32 v26, $0x3  }
0xa0: {  	s19 =	simm.s32 $0xBA20;
	v28 =	vshll.u32 v28, $0x3;
	v61 =	vld.idx.msk [tilespmem:v13+s13+$0x0], $0xffff;
	v25 =	vor.u32 v24, v25  }
0xa1: {  	v26 =	vor.u32 v24, v32;
	v13 =	vshll.u32 v56, $0x3;
	v11 =	vld.idx.msk [tilespmem:v11+s10+$0x0], $0xffff;
	[tilespmem:s19+$0x10] =	vst v9;
	v9 =	vshll.u32 v54, $0x3  }
0xa2: {  	v50 =	vld.idx.msk [tilespmem:v50+s10+$0x0], $0xffff;
	[tilespmem:s19+$0x70] =	vst v27;
	v27 =	vor.u32 v24, v28;
	v56 =	vor.u32 v24, v9;
	v9 =	vshll.u32 v29, $0x3  }
0xa3: {  	v62 =	vld.idx.msk [tilespmem:v16+s13+$0x0], $0xffff;
	v8 =	vshll.u32 v8, $0x3;
	[tilespmem:s19+$0x0] =	vst v10;
	v9 =	vor.u32 v24, v9  }
0xa4: {  	v60 =	vld.idx.msk [tilespmem:v14+s13+$0x0], $0xffff;
	v8 =	vor.u32 v24, v8;
	[tilespmem:s19+$0x20] =	vst v58  }
0xa5: {  	v57 =	vld.idx.msk [tilespmem:v25+s10+$0x0], $0xffff;
	v10 =	vshll.u32 v55, $0x3;
	[tilespmem:s19+$0x30] =	vst v59  }
0xa6: {  	v58 =	vld.idx.msk [tilespmem:v26+s10+$0x0], $0xffff;
	[tilespmem:s19+$0x50] =	vst v12;
	v54 =	vor.u32 v24, v10  }
0xa7: {  	s20 =	simm.s32 $0x2;
	s21 =	simm.s32 $0x40;
	v55 =	vor.u32 v24, v13;
	[tilespmem:s19+$0x40] =	vst v11;
	v59 =	vld.idx.msk [tilespmem:v27+s10+$0x0], $0xffff  }
.LBB2_4:
0xa8: {  	v10 =	vor.u32 s21, v17;
	v11 =	vor.u32 s21, v18;
	v12 =	vor.u32 s21, v19;
	s22 =	sadd.s32 $0x10, s21;
	v9 =	vld.idx.msk [tilespmem:v9+s10+$0x0], $0xffff;
	[tilespmem:s19+$0x60] =	vst v63  }
0xa9: {  	v13 =	vor.u32 s21, v20;
	v14 =	vor.u32 s21, v21;
	s20 =	sadd.s32 $0x2, s20;
	v16 =	vor.u32 s22, v15;
	v8 =	vld.idx.msk [tilespmem:v8+s10+$0x0], $0xffff  }
0xaa: {  	v25 =	vor.u32 s21, v22;
	v26 =	vor.u32 s21, v23;
	v27 =	vor.u32 s22, v23;
	p0 =	slt.u32 s20, $0x9A;
	v28 =	vld.idx.msk [tilespmem:v56+s10+$0x0], $0xffff  }
0xab: {  	v29 =	vor.u32 s21, v15;
	v63 =	vor.u32 s22, v17;
	v56 =	vshll.u32 v61, $0x3;
	v61 =	vld.idx.msk [tilespmem:v54+s10+$0x0], $0xffff  }
0xac: {  	v30 =	vor.u32 s22, v18;
	v54 =	vshll.u32 v60, $0x3;
	v60 =	vshll.u32 v62, $0x3;
	v62 =	vld.idx.msk [tilespmem:v55+s10+$0x0], $0xffff;
	[tilespmem:s18+$0xFFFFFF80] =	vst v51;
	v51 =	vmovc v58  }
0xad: {  	v56 =	vor.u32 v24, v56;
	v58 =	vor.u32 s22, v19;
	v54 =	vor.u32 v24, v54;
	v10 =	vld.idx.msk [tilespmem:v10+s13+$0x0], $0xffff;
	[tilespmem:s18+$0xFFFFFF90] =	vst v53  }
0xae: {  	v31 =	vor.u32 s22, v20;
	v55 =	vor.u32 v24, v60;
	v53 =	vmovc v57;
	v16 =	vld.idx.msk [tilespmem:v16+s13+$0x0], $0xffff;
	[tilespmem:s18+$0xFFFFFFA0] =	vst v52;
	v52 =	vmov v59  }
0xaf: {  	v57 =	vor.u32 s22, v21;
	v27 =	vld.idx.msk [tilespmem:v27+s13+$0x0], $0xffff;
	[tilespmem:s18+$0xFFFFFFB0] =	vst v49;
	v49 =	vmov v9  }
0xb0: {  	v59 =	vor.u32 s22, v22;
	v9 =	vld.idx.msk [tilespmem:v63+s13+$0x0], $0xffff;
	[tilespmem:s18+$0xFFFFFFC0] =	vst v50;
	v50 =	vmov v8  }
0xb1: {  	v8 =	vld.idx.msk [tilespmem:v30+s13+$0x0], $0xffff;
	[tilespmem:s18+$0xFFFFFFD0] =	vst v28  }
0xb2: {  	v28 =	vld.idx.msk [tilespmem:v58+s13+$0x0], $0xffff;
	[tilespmem:s18+$0xFFFFFFE0] =	vst v61  }
0xb3: {  	v10 =	vshll.u32 v10, $0x3;
	v30 =	vld.idx.msk [tilespmem:v31+s13+$0x0], $0xffff;
	[tilespmem:s18+$0xFFFFFFF0] =	vst v62;
	s18 =	smov.u32 s19  }
0xb4: {  	v10 =	vor.u32 v24, v10;
	v16 =	vshll.u32 v16, $0x3;
	v31 =	vld.idx.msk [tilespmem:v57+s13+$0x0], $0xffff  }
0xb5: {  	v16 =	vor.u32 v24, v16;
	v27 =	vshll.u32 v27, $0x3;
	v57 =	vld.idx.msk [tilespmem:v59+s13+$0x0], $0xffff  }
0xb6: {  	v9 =	vshll.u32 v9, $0x3;
	v27 =	vor.u32 v24, v27;
	v29 =	vld.idx.msk [tilespmem:v29+s13+$0x0], $0xffff  }
0xb7: {  	v9 =	vor.u32 v24, v9;
	v8 =	vshll.u32 v8, $0x3;
	v11 =	vld.idx.msk [tilespmem:v11+s13+$0x0], $0xffff  }
0xb8: {  	v8 =	vor.u32 v24, v8;
	v28 =	vshll.u32 v28, $0x3;
	v12 =	vld.idx.msk [tilespmem:v12+s13+$0x0], $0xffff  }
0xb9: {  	v28 =	vor.u32 v24, v28;
	v30 =	vshll.u32 v30, $0x3;
	v13 =	vld.idx.msk [tilespmem:v13+s13+$0x0], $0xffff  }
0xba: {  	v30 =	vor.u32 v24, v30;
	v31 =	vshll.u32 v31, $0x3;
	v16 =	vld.idx.msk [tilespmem:v16+s10+$0x0], $0xffff  }
0xbb: {  	v31 =	vor.u32 v24, v31;
	v57 =	vshll.u32 v57, $0x3;
	v27 =	vld.idx.msk [tilespmem:v27+s10+$0x0], $0xffff  }
0xbc: {  	v29 =	vshll.u32 v29, $0x3;
	v57 =	vor.u32 v24, v57;
	v58 =	vld.idx.msk [tilespmem:v9+s10+$0x0], $0xffff  }
0xbd: {  	v29 =	vor.u32 v24, v29;
	v9 =	vshll.u32 v11, $0x3;
	v11 =	vld.idx.msk [tilespmem:v8+s10+$0x0], $0xffff  }
0xbe: {  	v59 =	vor.u32 v24, v9;
	v8 =	vshll.u32 v12, $0x3;
	v12 =	vld.idx.msk [tilespmem:v28+s10+$0x0], $0xffff  }
0xbf: {  	v9 =	vor.u32 v24, v8;
	v8 =	vshll.u32 v13, $0x3;
	v13 =	vld.idx.msk [tilespmem:v30+s10+$0x0], $0xffff  }
0xc0: {  	s19 =	sadd.s32 $0x100, s19;
	v8 =	vor.u32 v24, v8;
	v28 =	vld.idx.msk [tilespmem:v31+s10+$0x0], $0xffff  }
0xc1: {  	v63 =	vld.idx.msk [tilespmem:v57+s10+$0x0], $0xffff;
	[tilespmem:s19+$0x70] =	vst v27  }
0xc2: {  	v61 =	vld.idx.msk [tilespmem:v14+s13+$0x0], $0xffff;
	[tilespmem:s19+$0x0] =	vst v16  }
.Ltmp1:
0xc3: {  	v60 =	vld.idx.msk [tilespmem:v25+s13+$0x0], $0xffff;
	[tilespmem:s19+$0x10] =	vst v58;
	(pc) =	sbr.rel @p0 .LBB2_4-.Ltmp1, $4  }
0xc4: {  	v62 =	vld.idx.msk [tilespmem:v26+s13+$0x0], $0xffff;
	[tilespmem:s19+$0x20] =	vst v11  }
0xc5: {  	v58 =	vld.idx.msk [tilespmem:v29+s10+$0x0], $0xffff;
	[tilespmem:s19+$0x30] =	vst v12  }
0xc6: {  	v57 =	vld.idx.msk [tilespmem:v10+s10+$0x0], $0xffff;
	[tilespmem:s19+$0x40] =	vst v13  }
0xc7: {  	s21 =	sadd.s32 $0x20, s21;
	v59 =	vld.idx.msk [tilespmem:v59+s10+$0x0], $0xffff;
	[tilespmem:s19+$0x50] =	vst v28  }
0xc8: {  	_ =	sdelay $0x3  }
0xc9: {  	v10 =	vld.idx.msk [tilespmem:v56+s10+$0x0], $0xffff  }
0xca: {  	v11 =	vld.idx.msk [tilespmem:v54+s10+$0x0], $0xffff;
	[tilespmem:s19+$0x60] =	vst v63  }
0xcb: {  	v12 =	vshll.u32 v61, $0x3;
	v13 =	vld.idx.msk [tilespmem:v55+s10+$0x0], $0xffff;
	[tilespmem:s18+$0xFFFFFF80] =	vst v51  }
0xcc: {  	v14 =	vshll.u32 v60, $0x3;
	[tilespmem:s18+$0xFFFFFF90] =	vst v53;
	v12 =	vor.u32 v24, v12  }
0xcd: {  	[tilespmem:s18+$0xFFFFFFA0] =	vst v52;
	v16 =	vshll.u32 v62, $0x3;
	v14 =	vor.u32 v24, v14  }
0xce: {  	[tilespmem:s18+$0xFFFFFFB0] =	vst v49;
	v16 =	vor.u32 v24, v16  }
0xcf: {  	v9 =	vld.idx.msk [tilespmem:v9+s10+$0x0], $0xffff;
	[tilespmem:s18+$0xFFFFFFC0] =	vst v50  }
0xd0: {  	v8 =	vld.idx.msk [tilespmem:v8+s10+$0x0], $0xffff;
	[tilespmem:s18+$0xFFFFFFD0] =	vst v10  }
0xd1: {  	[tilespmem:s18+$0xFFFFFFE0] =	vst v11;
	v10 =	vld.idx.msk [tilespmem:v12+s10+$0x0], $0xffff  }
0xd2: {  	[tilespmem:s18+$0xFFFFFFF0] =	vst v13;
	v11 =	vld.idx.msk [tilespmem:v14+s10+$0x0], $0xffff  }
0xd3: {  	v12 =	vld.idx.msk [tilespmem:v16+s10+$0x0], $0xffff;
	[tilespmem:s19+$0xFFFFFF80] =	vst v58  }
0xd4: {  	[tilespmem:s19+$0xFFFFFF90] =	vst v57  }
0xd5: {  	[tilespmem:s19+$0xFFFFFFA0] =	vst v59  }
0xd6: {  	[tilespmem:s19+$0xFFFFFFB0] =	vst v9  }
0xd7: {  	[tilespmem:s19+$0xFFFFFFC0] =	vst v8  }
0xd8: {  	[tilespmem:s19+$0xFFFFFFD0] =	vst v10  }
0xd9: {  	[tilespmem:s19+$0xFFFFFFE0] =	vst v11  }
0xda: {  	[tilespmem:s19+$0xFFFFFFF0] =	vst v12  }
0xdb: {  	v8 =	vld [tilespmem:$0x1FF80]  }
0xdc: {  	v9 =	vld [tilespmem:$0x1FF90]  }
0xdd: {  	v10 =	vld [tilespmem:$0x1FFA0]  }
0xde: {  	v11 =	vld [tilespmem:$0x1FFB0]  }
0xdf: {  	v12 =	vld [tilespmem:$0x1FFC0]  }
0xe0: {  	v13 =	vld [tilespmem:$0x1FFD0]  }
0xe1: {  	v14 =	vld [tilespmem:$0x1FFE0]  }
0xe2: {  	v16 =	vld [tilespmem:$0x1FFF0]  }
0xe3: {  	v8 =	vld.idx.msk [tilespmem:v8+s13+$0x0], $0xffff  }
0xe4: {  	v9 =	vld.idx.msk [tilespmem:v9+s13+$0x0], $0xffff  }
0xe5: {  	v10 =	vld.idx.msk [tilespmem:v10+s13+$0x0], $0xffff  }
0xe6: {  	v11 =	vld.idx.msk [tilespmem:v11+s13+$0x0], $0xffff  }
0xe7: {  	v12 =	vld.idx.msk [tilespmem:v12+s13+$0x0], $0xffff  }
0xe8: {  	v13 =	vld.idx.msk [tilespmem:v13+s13+$0x0], $0xffff;
	v8 =	vshll.u32 v8, $0x3  }
0xe9: {  	v14 =	vld.idx.msk [tilespmem:v14+s13+$0x0], $0xffff;
	v9 =	vshll.u32 v9, $0x3;
	v8 =	vor.u32 v24, v8  }
0xea: {  	v16 =	vld.idx.msk [tilespmem:v16+s13+$0x0], $0xffff;
	v10 =	vshll.u32 v10, $0x3;
	v9 =	vor.u32 v24, v9  }
0xeb: {  	v11 =	vshll.u32 v11, $0x3;
	v10 =	vor.u32 v24, v10  }
0xec: {  	v12 =	vshll.u32 v12, $0x3;
	v11 =	vor.u32 v24, v11  }
0xed: {  	v13 =	vshll.u32 v13, $0x3;
	v12 =	vor.u32 v24, v12  }
0xee: {  	v14 =	vshll.u32 v14, $0x3;
	v13 =	vor.u32 v24, v13;
	v8 =	vld.idx.msk [tilespmem:v8+s10+$0x0], $0xffff  }
0xef: {  	v16 =	vshll.u32 v16, $0x3;
	v14 =	vor.u32 v24, v14;
	v9 =	vld.idx.msk [tilespmem:v9+s10+$0x0], $0xffff  }
0xf0: {  	v16 =	vor.u32 v24, v16;
	v10 =	vld.idx.msk [tilespmem:v10+s10+$0x0], $0xffff  }
0xf1: {  	v11 =	vld.idx.msk [tilespmem:v11+s10+$0x0], $0xffff  }
0xf2: {  	v12 =	vld.idx.msk [tilespmem:v12+s10+$0x0], $0xffff  }
0xf3: {  	v13 =	vld.idx.msk [tilespmem:v13+s10+$0x0], $0xffff  }
0xf4: {  	v14 =	vld.idx.msk [tilespmem:v14+s10+$0x0], $0xffff  }
0xf5: {  	v16 =	vld.idx.msk [tilespmem:v16+s10+$0x0], $0xffff;
	[tilespmem:$0x106A0] =	vst v8  }
0xf6: {  	[tilespmem:$0x106B0] =	vst v9  }
0xf7: {  	[tilespmem:$0x106C0] =	vst v10  }
0xf8: {  	[tilespmem:$0x106D0] =	vst v11  }
0xf9: {  	[tilespmem:$0x106E0] =	vst v12  }
0xfa: {  	[tilespmem:$0x106F0] =	vst v13  }
0xfb: {  	s28 =	simm.s32 $0x4F00;
	[tilespmem:$0x10700] =	vst v14  }
0xfc: {  	s29 =	simm.s32 $0x4E80;
	[tilespmem:$0x10710] =	vst v16;
	v8 =	vor.u32 s28, v1  }
0xfd: {  	v9 =	vor.u32 s29, v0;
	[hbm4b:s6+s3] =	stream.linear.scatter [tilespmem:s14], [sflag:$0x2], $0x4E80, $0x38;
	[tilespmem:$0x155A0] =	vst v63  }
0xfe: {  	v10 =	vor.u32 s29, v1;
	_ =	swait.ge [sflag:s12], $0x4E80  }
0xff: {  	v11 =	vor.u32 s29, v2;
	[sflag:s12] =	ssyncset.done $0x0  }
0x100: {  	v12 =	vor.u32 s29, v3;
	[sflag:s12] =	ssyncadd.s32 $0xFFFFB180  }
0x101: {  	v13 =	vor.u32 s29, v4;
	v8 =	vld.idx.msk [tilespmem:v8+s3+$0x0], $0xffff  }
0x102: {  	v14 =	vor.u32 s29, v5;
	v9 =	vld.idx.msk [tilespmem:v9+s3+$0x0], $0xffff  }
0x103: {  	v16 =	vor.u32 s29, v6;
	v10 =	vld.idx.msk [tilespmem:v10+s3+$0x0], $0xffff  }
0x104: {  	v25 =	vor.u32 s29, v7;
	v11 =	vld.idx.msk [tilespmem:v11+s3+$0x0], $0xffff  }
0x105: {  	v26 =	vor.u32 s28, v0;
	v12 =	vld.idx.msk [tilespmem:v12+s3+$0x0], $0xffff  }
0x106: {  	v27 =	vor.u32 s28, v2;
	v13 =	vld.idx.msk [tilespmem:v13+s3+$0x0], $0xffff  }
0x107: {  	v28 =	vor.u32 s28, v3;
	v14 =	vld.idx.msk [tilespmem:v14+s3+$0x0], $0xffff  }
0x108: {  	v29 =	vor.u32 s28, v4;
	v16 =	vld.idx.msk [tilespmem:v16+s3+$0x0], $0xffff  }
0x109: {  	v30 =	vor.u32 s28, v5;
	v25 =	vld.idx.msk [tilespmem:v25+s3+$0x0], $0xffff  }
0x10a: {  	s30 =	simm.s32 $0x5000;
	v31 =	vor.u32 s28, v6;
	v26 =	vld.idx.msk [tilespmem:v26+s3+$0x0], $0xffff  }
0x10b: {  	s31 =	simm.s32 $0x4F80;
	v63 =	vor.u32 s28, v7;
	v55 =	vor.u32 s30, v0;
	v49 =	vor.u32 s30, v3;
	v27 =	vld.idx.msk [tilespmem:v27+s3+$0x0], $0xffff  }
0x10c: {  	v56 =	vor.u32 s31, v6;
	v32 =	vor.u32 s31, v7;
	v28 =	vld.idx.msk [tilespmem:v28+s3+$0x0], $0xffff;
	v10 =	vshll.u32 v10, $0x1  }
0x10d: {  	v29 =	vld.idx.msk [tilespmem:v29+s3+$0x0], $0xffff;
	v9 =	vadd.s32 v9, v10;
	v10 =	vshll.u32 v11, $0x2;
	v11 =	vor.u32 s30, v1  }
0x10e: {  	v30 =	vld.idx.msk [tilespmem:v30+s3+$0x0], $0xffff;
	v9 =	vadd.s32 v10, v9;
	v10 =	vshll.u32 v12, $0x3;
	v12 =	vor.u32 s31, v0  }
0x10f: {  	v31 =	vld.idx.msk [tilespmem:v31+s3+$0x0], $0xffff;
	v9 =	vadd.s32 v10, v9;
	v10 =	vshll.u32 v13, $0x4;
	v13 =	vor.u32 s31, v1  }
0x110: {  	v54 =	vld.idx.msk [tilespmem:v63+s3+$0x0], $0xffff;
	v9 =	vadd.s32 v10, v9;
	v10 =	vshll.u32 v14, $0x5;
	v14 =	vor.u32 s31, v2  }
0x111: {  	v57 =	vld.idx.msk [tilespmem:v56+s3+$0x0], $0xffff;
	v9 =	vadd.s32 v10, v9;
	v10 =	vshll.u32 v16, $0x6;
	v16 =	vor.u32 s31, v3  }
0x112: {  	v9 =	vadd.s32 v10, v9;
	v10 =	vshll.u32 v25, $0x7;
	v25 =	vor.u32 s31, v4;
	v11 =	vld.idx.msk [tilespmem:v11+s3+$0x0], $0xffff  }
0x113: {  	v8 =	vshll.u32 v8, $0x1;
	v9 =	vadd.s32 v10, v9;
	v10 =	vld.idx.msk [tilespmem:v12+s3+$0x0], $0xffff;
	v12 =	vor.u32 s31, v5  }
0x114: {  	v53 =	vor.u32 s30, v4;
	v8 =	vadd.s32 v26, v8;
	v26 =	vshll.u32 v27, $0x2;
	v13 =	vld.idx.msk [tilespmem:v13+s3+$0x0], $0xffff  }
0x115: {  	v51 =	vor.u32 s30, v5;
	v8 =	vadd.s32 v26, v8;
	v26 =	vshll.u32 v28, $0x3;
	v14 =	vld.idx.msk [tilespmem:v14+s3+$0x0], $0xffff  }
0x116: {  	v58 =	vor.u32 s30, v2;
	v27 =	vshll.u32 v29, $0x4;
	v8 =	vadd.s32 v26, v8;
	v16 =	vld.idx.msk [tilespmem:v16+s3+$0x0], $0xffff  }
0x117: {  	v52 =	vor.u32 s30, v6;
	v8 =	vadd.s32 v27, v8;
	v60 =	vld.idx.msk [tilespmem:v25+s3+$0x0], $0xffff;
	v25 =	vshll.u32 v30, $0x5  }
0x118: {  	v50 =	vor.u32 s30, v7;
	v59 =	vld.idx.msk [tilespmem:v12+s3+$0x0], $0xffff;
	v12 =	vshll.u32 v31, $0x6;
	v8 =	vadd.s32 v25, v8  }
0x119: {  	s18 =	simm.s32 $0xAEE0;
	v56 =	vld.idx.msk [tilespmem:v32+s3+$0x0], $0xffff;
	v25 =	vshll.u32 v54, $0x7;
	v13 =	vshll.u32 v13, $0x1;
	v8 =	vadd.s32 v12, v8  }
0x11a: {  	v55 =	vld.idx.msk [tilespmem:v55+s3+$0x0], $0xffff;
	[tilespmem:s18+$0xFFFFFFF0] =	vst v9;
	v9 =	vadd.s32 v10, v13;
	v10 =	vshll.u32 v14, $0x2;
	v12 =	vadd.s32 v25, v8  }
0x11b: {  	s20 =	simm.s32 $0x5100;
	s19 =	simm.s32 $0x9F;
	v58 =	vld.idx.msk [tilespmem:v58+s3+$0x0], $0xffff;
	v54 =	vshll.u32 v11, $0x1;
	v8 =	vadd.s32 v10, v9;
	v9 =	vshll.u32 v16, $0x3;
	[tilespmem:s18+$0x0] =	vst v12  }
.LBB2_6:
0x11c: {  	s21 =	sadd.s32 $0xFFFFFF80, s20;
	v10 =	vor.u32 s20, v1;
	v8 =	vadd.s32 v9, v8;
	v9 =	vshll.u32 v60, $0x4;
	v11 =	vld.idx.msk [tilespmem:v49+s3+$0x0], $0xffff  }
0x11d: {  	s19 =	sadd.s32 $0x2, s19;
	v12 =	vor.u32 s21, v0;
	v8 =	vadd.s32 v9, v8;
	v9 =	vshll.u32 v59, $0x5;
	v13 =	vld.idx.msk [tilespmem:v53+s3+$0x0], $0xffff  }
0x11e: {  	v14 =	vor.u32 s21, v1;
	p0 =	slt.u32 s19, $0x137;
	v8 =	vadd.s32 v9, v8;
	v9 =	vshll.u32 v57, $0x6;
	v16 =	vld.idx.msk [tilespmem:v51+s3+$0x0], $0xffff  }
0x11f: {  	v25 =	vor.u32 s21, v2;
	v8 =	vadd.s32 v9, v8;
	v9 =	vshll.u32 v56, $0x7;
	v26 =	vld.idx.msk [tilespmem:v52+s3+$0x0], $0xffff  }
0x120: {  	v28 =	vor.u32 s20, v0;
	s18 =	sadd.s32 $0x20, s18;
	v27 =	vor.u32 s21, v3;
	v8 =	vadd.s32 v9, v8;
	v9 =	vld.idx.msk [tilespmem:v50+s3+$0x0], $0xffff  }
0x121: {  	v30 =	vor.u32 s20, v2;
	v49 =	vor.u32 s20, v3;
	v29 =	vor.u32 s21, v4;
	v10 =	vld.idx.msk [tilespmem:v10+s3+$0x0], $0xffff;
	[tilespmem:s18+$0xFFFFFFF0] =	vst v8  }
0x122: {  	v53 =	vor.u32 s20, v4;
	v51 =	vor.u32 s20, v5;
	v8 =	vld.idx.msk [tilespmem:v12+s3+$0x0], $0xffff;
	v12 =	vor.u32 s21, v5  }
0x123: {  	v31 =	vor.u32 s21, v6;
	v52 =	vor.u32 s20, v6;
	v50 =	vor.u32 s20, v7;
	v14 =	vld.idx.msk [tilespmem:v14+s3+$0x0], $0xffff  }
0x124: {  	v56 =	vor.u32 s21, v7;
	v54 =	vadd.s32 v55, v54;
	v55 =	vshll.u32 v58, $0x2;
	v25 =	vld.idx.msk [tilespmem:v25+s3+$0x0], $0xffff  }
0x125: {  	v54 =	vadd.s32 v55, v54;
	v11 =	vshll.u32 v11, $0x3;
	v13 =	vshll.u32 v13, $0x4;
	v27 =	vld.idx.msk [tilespmem:v27+s3+$0x0], $0xffff  }
0x126: {  	v11 =	vadd.s32 v11, v54;
	v16 =	vshll.u32 v16, $0x5;
	v26 =	vshll.u32 v26, $0x6;
	v60 =	vld.idx.msk [tilespmem:v29+s3+$0x0], $0xffff  }
.Ltmp2:
0x127: {  	v9 =	vshll.u32 v9, $0x7;
	v54 =	vshll.u32 v10, $0x1;
	v10 =	vadd.s32 v13, v11;
	v59 =	vld.idx.msk [tilespmem:v12+s3+$0x0], $0xffff;
	(pc) =	sbr.rel @p0 .LBB2_6-.Ltmp2, $4  }
0x128: {  	v10 =	vadd.s32 v16, v10;
	v57 =	vld.idx.msk [tilespmem:v31+s3+$0x0], $0xffff  }
0x129: {  	v11 =	vshll.u32 v14, $0x1;
	v10 =	vadd.s32 v26, v10;
	v56 =	vld.idx.msk [tilespmem:v56+s3+$0x0], $0xffff  }
0x12a: {  	v8 =	vadd.s32 v8, v11;
	v11 =	vshll.u32 v25, $0x2;
	v10 =	vadd.s32 v9, v10;
	v55 =	vld.idx.msk [tilespmem:v28+s3+$0x0], $0xffff  }
0x12b: {  	s20 =	sadd.s32 $0x100, s20;
	v8 =	vadd.s32 v11, v8;
	v9 =	vshll.u32 v27, $0x3;
	v58 =	vld.idx.msk [tilespmem:v30+s3+$0x0], $0xffff;
	[tilespmem:s18+$0x0] =	vst v10  }
0x12c: {  	_ =	sdelay $0x3  }
0x12d: {  	v10 =	vld.idx.msk [tilespmem:v49+s3+$0x0], $0xffff  }
0x12e: {  	v11 =	vld.idx.msk [tilespmem:v53+s3+$0x0], $0xffff  }
0x12f: {  	v8 =	vadd.s32 v9, v8;
	v9 =	vshll.u32 v60, $0x4;
	v12 =	vld.idx.msk [tilespmem:v51+s3+$0x0], $0xffff  }
0x130: {  	v8 =	vadd.s32 v9, v8;
	v9 =	vld.idx.msk [tilespmem:v52+s3+$0x0], $0xffff  }
0x131: {  	v13 =	vshll.u32 v59, $0x5;
	v14 =	vld.idx.msk [tilespmem:v50+s3+$0x0], $0xffff;
	v16 =	vadd.s32 v55, v54;
	v25 =	vshll.u32 v58, $0x2  }
0x132: {  	v8 =	vadd.s32 v13, v8;
	v13 =	vadd.s32 v25, v16;
	v10 =	vshll.u32 v10, $0x3  }
0x133: {  	v16 =	vshll.u32 v57, $0x6;
	v11 =	vshll.u32 v11, $0x4;
	v10 =	vadd.s32 v10, v13  }
0x134: {  	v12 =	vshll.u32 v12, $0x5;
	v8 =	vadd.s32 v16, v8;
	v10 =	vadd.s32 v11, v10  }
0x135: {  	v9 =	vshll.u32 v9, $0x6;
	v11 =	vshll.u32 v56, $0x7;
	v10 =	vadd.s32 v12, v10  }
0x136: {  	s18 =	sadd.s32 $0x20, s18;
	v8 =	vadd.s32 v11, v8;
	v11 =	vshll.u32 v14, $0x7;
	v9 =	vadd.s32 v9, v10  }
0x137: {  	[tilespmem:s18+$0xFFFFFFF0] =	vst v8;
	v8 =	vadd.s32 v11, v9  }
0x138: {  	[tilespmem:s18+$0x0] =	vst v8  }
0x139: {  	v8 =	vld.idx.msk [tilespmem:v33+s3+$0x0], $0xffff  }
0x13a: {  	v9 =	vld.idx.msk [tilespmem:v34+s3+$0x0], $0xffff  }
0x13b: {  	v10 =	vld.idx.msk [tilespmem:v35+s3+$0x0], $0xffff  }
0x13c: {  	v11 =	vld.idx.msk [tilespmem:v36+s3+$0x0], $0xffff  }
0x13d: {  	v12 =	vld.idx.msk [tilespmem:v37+s3+$0x0], $0xffff  }
0x13e: {  	v13 =	vld.idx.msk [tilespmem:v38+s3+$0x0], $0xffff  }
0x13f: {  	v14 =	vld.idx.msk [tilespmem:v39+s3+$0x0], $0xffff;
	v9 =	vshll.u32 v9, $0x1  }
0x140: {  	v8 =	vadd.s32 v8, v9;
	v9 =	vshll.u32 v10, $0x2;
	v10 =	vld.idx.msk [tilespmem:v40+s3+$0x0], $0xffff  }
0x141: {  	v8 =	vadd.s32 v9, v8;
	v9 =	vshll.u32 v11, $0x3  }
0x142: {  	s29 =	simm.s32 $0x9E0;
	v8 =	vadd.s32 v9, v8;
	v9 =	vshll.u32 v12, $0x4  }
0x143: {  	s19 =	simm.s32 $0x9D0;
	v11 =	vor.u32 s29, v15;
	v8 =	vadd.s32 v9, v8;
	v9 =	vshll.u32 v13, $0x5  }
0x144: {  	v12 =	vor.u32 s19, v15;
	v8 =	vadd.s32 v9, v8;
	v9 =	vshll.u32 v14, $0x6  }
0x145: {  	v13 =	vor.u32 s19, v19;
	v8 =	vadd.s32 v9, v8;
	v9 =	vshll.u32 v10, $0x7  }
0x146: {  	v16 =	vor.u32 s19, v21;
	v8 =	vadd.s32 v9, v8  }
0x147: {  	v25 =	vor.u32 s19, v22;
	[tilespmem:$0xB890] =	vst v8  }
0x148: {  	v26 =	vor.u32 s29, v17;
	v11 =	vld.idx.msk [tilespmem:v11+s13+$0x0], $0xffff  }
0x149: {  	v27 =	vor.u32 s29, v18;
	v12 =	vld.idx.msk [tilespmem:v12+s13+$0x0], $0xffff  }
0x14a: {  	v28 =	vor.u32 s29, v19;
	v13 =	vld.idx.msk [tilespmem:v13+s13+$0x0], $0xffff  }
0x14b: {  	v29 =	vor.u32 s29, v20;
	v16 =	vld.idx.msk [tilespmem:v16+s13+$0x0], $0xffff  }
0x14c: {  	v30 =	vor.u32 s29, v21;
	v25 =	vld.idx.msk [tilespmem:v25+s13+$0x0], $0xffff  }
0x14d: {  	v31 =	vor.u32 s29, v22;
	v26 =	vld.idx.msk [tilespmem:v26+s13+$0x0], $0xffff  }
0x14e: {  	s31 =	simm.s32 $0x9F0;
	v61 =	vor.u32 s29, v23;
	v27 =	vld.idx.msk [tilespmem:v27+s13+$0x0], $0xffff  }
0x14f: {  	v55 =	vor.u32 s31, v19;
	v28 =	vld.idx.msk [tilespmem:v28+s13+$0x0], $0xffff  }
0x150: {  	v56 =	vor.u32 s31, v20;
	v29 =	vld.idx.msk [tilespmem:v29+s13+$0x0], $0xffff  }
0x151: {  	v57 =	vor.u32 s31, v21;
	v30 =	vld.idx.msk [tilespmem:v30+s13+$0x0], $0xffff  }
0x152: {  	s30 =	simm.s32 $0xA00;
	v58 =	vor.u32 s31, v22;
	v31 =	vld.idx.msk [tilespmem:v31+s13+$0x0], $0xffff  }
0x153: {  	v59 =	vor.u32 s30, v17;
	v54 =	vld.idx.msk [tilespmem:v61+s13+$0x0], $0xffff  }
0x154: {  	v32 =	vor.u32 s30, v18;
	v55 =	vld.idx.msk [tilespmem:v55+s13+$0x0], $0xffff  }
0x155: {  	v14 =	vor.u32 s19, v20;
	v56 =	vld.idx.msk [tilespmem:v56+s13+$0x0], $0xffff  }
0x156: {  	v10 =	vor.u32 s19, v23;
	v57 =	vld.idx.msk [tilespmem:v57+s13+$0x0], $0xffff  }
0x157: {  	v9 =	vor.u32 s19, v17;
	v58 =	vld.idx.msk [tilespmem:v58+s13+$0x0], $0xffff  }
0x158: {  	v8 =	vor.u32 s19, v18;
	v59 =	vld.idx.msk [tilespmem:v59+s13+$0x0], $0xffff  }
0x159: {  	v61 =	vor.u32 s30, v19;
	v60 =	vld.idx.msk [tilespmem:v32+s13+$0x0], $0xffff;
	v12 =	vshll.u32 v12, $0x3  }
0x15a: {  	v14 =	vld.idx.msk [tilespmem:v14+s13+$0x0], $0xffff;
	v13 =	vshll.u32 v13, $0x3;
	v12 =	vor.u32 v24, v12  }
0x15b: {  	v10 =	vld.idx.msk [tilespmem:v10+s13+$0x0], $0xffff;
	v16 =	vshll.u32 v16, $0x3;
	v13 =	vor.u32 v24, v13  }
0x15c: {  	v9 =	vld.idx.msk [tilespmem:v9+s13+$0x0], $0xffff;
	v25 =	vshll.u32 v25, $0x3;
	v16 =	vor.u32 v24, v16  }
0x15d: {  	v8 =	vld.idx.msk [tilespmem:v8+s13+$0x0], $0xffff;
	v11 =	vshll.u32 v11, $0x3;
	v25 =	vor.u32 v24, v25  }
0x15e: {  	v26 =	vshll.u32 v26, $0x3;
	v32 =	vld.idx.msk [tilespmem:v61+s13+$0x0], $0xffff;
	v11 =	vor.u32 v24, v11  }
0x15f: {  	v27 =	vshll.u32 v27, $0x3;
	v26 =	vor.u32 v24, v26;
	v12 =	vld.idx.msk [tilespmem:v12+s10+$0x0], $0xffff  }
0x160: {  	v28 =	vshll.u32 v28, $0x3;
	v27 =	vor.u32 v24, v27;
	v13 =	vld.idx.msk [tilespmem:v13+s10+$0x0], $0xffff  }
0x161: {  	v29 =	vshll.u32 v29, $0x3;
	v28 =	vor.u32 v24, v28;
	v16 =	vld.idx.msk [tilespmem:v16+s10+$0x0], $0xffff  }
0x162: {  	v29 =	vor.u32 v24, v29;
	v25 =	vld.idx.msk [tilespmem:v25+s10+$0x0], $0xffff  }
0x163: {  	v62 =	vor.u32 s31, v17;
	v51 =	vld.idx.msk [tilespmem:v11+s10+$0x0], $0xffff  }
0x164: {  	v53 =	vld.idx.msk [tilespmem:v26+s10+$0x0], $0xffff;
	v26 =	vor.u32 s31, v15  }
0x165: {  	v52 =	vld.idx.msk [tilespmem:v27+s10+$0x0], $0xffff;
	v27 =	vor.u32 s31, v23  }
0x166: {  	v63 =	vor.u32 s31, v18;
	v8 =	vshll.u32 v8, $0x3;
	v49 =	vld.idx.msk [tilespmem:v28+s10+$0x0], $0xffff  }
0x167: {  	v55 =	vshll.u32 v55, $0x3;
	v8 =	vor.u32 v24, v8;
	v50 =	vld.idx.msk [tilespmem:v29+s10+$0x0], $0xffff  }
0x168: {  	v55 =	vor.u32 v24, v55;
	v9 =	vshll.u32 v9, $0x3;
	v28 =	vld.idx.msk [tilespmem:v62+s13+$0x0], $0xffff  }
0x169: {  	v10 =	vshll.u32 v10, $0x3;
	v9 =	vor.u32 v24, v9;
	v26 =	vld.idx.msk [tilespmem:v26+s13+$0x0], $0xffff  }
0x16a: {  	v14 =	vshll.u32 v14, $0x3;
	v10 =	vor.u32 v24, v10;
	v27 =	vld.idx.msk [tilespmem:v27+s13+$0x0], $0xffff  }
0x16b: {  	v14 =	vor.u32 v24, v14;
	v29 =	vld.idx.msk [tilespmem:v63+s13+$0x0], $0xffff  }
0x16c: {  	v11 =	vor.u32 s30, v15;
	v63 =	vshll.u32 v58, $0x3;
	v8 =	vld.idx.msk [tilespmem:v8+s10+$0x0], $0xffff  }
0x16d: {  	v55 =	vld.idx.msk [tilespmem:v55+s10+$0x0], $0xffff;
	v61 =	vor.u32 v24, v63;
	v28 =	vshll.u32 v28, $0x3  }
0x16e: {  	v9 =	vld.idx.msk [tilespmem:v9+s10+$0x0], $0xffff;
	v28 =	vor.u32 v24, v28;
	v26 =	vshll.u32 v26, $0x3  }
0x16f: {  	s18 =	simm.s32 $0x10810;
	v10 =	vld.idx.msk [tilespmem:v10+s10+$0x0], $0xffff;
	v27 =	vshll.u32 v27, $0x3;
	v26 =	vor.u32 v24, v26  }
0x170: {  	v14 =	vld.idx.msk [tilespmem:v14+s10+$0x0], $0xffff;
	[tilespmem:s18+$0xFFFFFF10] =	vst v12;
	v27 =	vor.u32 v24, v27  }
0x171: {  	v11 =	vld.idx.msk [tilespmem:v11+s13+$0x0], $0xffff;
	v29 =	vshll.u32 v29, $0x3;
	[tilespmem:s18+$0xFFFFFF30] =	vst v8;
	v8 =	vor.u32 s30, v20  }
0x172: {  	v62 =	vshll.u32 v57, $0x3;
	[tilespmem:s18+$0xFFFFFF40] =	vst v13;
	v29 =	vor.u32 v24, v29;
	v63 =	vld.idx.msk [tilespmem:v61+s10+$0x0], $0xffff  }
0x173: {  	v56 =	vshll.u32 v56, $0x3;
	v12 =	vor.u32 v24, v62;
	[tilespmem:s18+$0xFFFFFF20] =	vst v9;
	v9 =	vld.idx.msk [tilespmem:v28+s10+$0x0], $0xffff  }
0x174: {  	[tilespmem:s18+$0xFFFFFF80] =	vst v10;
	v10 =	vld.idx.msk [tilespmem:v26+s10+$0x0], $0xffff;
	v26 =	vor.u32 v24, v56  }
0x175: {  	v13 =	vor.u32 s30, v21;
	[tilespmem:s18+$0xFFFFFF70] =	vst v25;
	v27 =	vld.idx.msk [tilespmem:v27+s10+$0x0], $0xffff  }
0x176: {  	v25 =	vshll.u32 v59, $0x3;
	[tilespmem:s18+$0xFFFFFF50] =	vst v14;
	v14 =	vor.u32 s30, v22;
	v8 =	vld.idx.msk [tilespmem:v8+s13+$0x0], $0xffff  }
0x177: {  	v25 =	vor.u32 v24, v25;
	v11 =	vshll.u32 v11, $0x3;
	v29 =	vld.idx.msk [tilespmem:v29+s10+$0x0], $0xffff  }
0x178: {  	s19 =	simm.s32 $0x10910;
	[tilespmem:s18+$0xFFFFFF60] =	vst v16;
	v12 =	vld.idx.msk [tilespmem:v12+s10+$0x0], $0xffff;
	v11 =	vor.u32 v24, v11  }
0x179: {  	v16 =	vor.u32 s30, v23;
	v62 =	vshll.u32 v60, $0x3;
	v26 =	vld.idx.msk [tilespmem:v26+s10+$0x0], $0xffff;
	[tilespmem:s19+$0xFFFFFF20] =	vst v9;
	v9 =	vshll.u32 v30, $0x3  }
0x17a: {  	v61 =	vld.idx.msk [tilespmem:v13+s13+$0x0], $0xffff;
	[tilespmem:s19+$0xFFFFFF80] =	vst v27;
	v27 =	vor.u32 v24, v62;
	v56 =	vor.u32 v24, v9;
	v9 =	vshll.u32 v32, $0x3  }
0x17b: {  	v60 =	vld.idx.msk [tilespmem:v14+s13+$0x0], $0xffff;
	v8 =	vshll.u32 v8, $0x3;
	[tilespmem:s19+$0xFFFFFF10] =	vst v10;
	v9 =	vor.u32 v24, v9  }
0x17c: {  	v57 =	vld.idx.msk [tilespmem:v25+s10+$0x0], $0xffff;
	v8 =	vor.u32 v24, v8;
	[tilespmem:s19+$0xFFFFFF30] =	vst v29  }
0x17d: {  	v58 =	vld.idx.msk [tilespmem:v11+s10+$0x0], $0xffff;
	v10 =	vshll.u32 v31, $0x3;
	[tilespmem:s19+$0xFFFFFF40] =	vst v55  }
0x17e: {  	v13 =	vshll.u32 v54, $0x3;
	v62 =	vld.idx.msk [tilespmem:v16+s13+$0x0], $0xffff;
	[tilespmem:s19+$0xFFFFFF60] =	vst v12;
	v54 =	vor.u32 v24, v10  }
0x17f: {  	s20 =	simm.s32 $0x9F;
	s21 =	simm.s32 $0xA20;
	v55 =	vor.u32 v24, v13;
	[tilespmem:s19+$0xFFFFFF50] =	vst v26;
	v59 =	vld.idx.msk [tilespmem:v27+s10+$0x0], $0xffff  }
.LBB2_8:
0x180: {  	s22 =	sadd.s32 $0xFFFFFFF0, s21;
	v10 =	vor.u32 s21, v15;
	v11 =	vor.u32 s21, v17;
	v12 =	vor.u32 s21, v18;
	[tilespmem:s19+$0xFFFFFF70] =	vst v63;
	v9 =	vld.idx.msk [tilespmem:v9+s10+$0x0], $0xffff  }
0x181: {  	v14 =	vor.u32 s21, v19;
	v16 =	vor.u32 s21, v20;
	s20 =	sadd.s32 $0x2, s20;
	v13 =	vor.u32 s22, v15;
	v8 =	vld.idx.msk [tilespmem:v8+s10+$0x0], $0xffff  }
0x182: {  	v26 =	vor.u32 s21, v21;
	v27 =	vor.u32 s21, v22;
	v25 =	vor.u32 s22, v23;
	p0 =	slt.u32 s20, $0x137;
	v28 =	vld.idx.msk [tilespmem:v56+s10+$0x0], $0xffff  }
0x183: {  	v30 =	vor.u32 s21, v23;
	v31 =	vshll.u32 v61, $0x3;
	v29 =	vor.u32 s22, v17;
	v32 =	vld.idx.msk [tilespmem:v54+s10+$0x0], $0xffff  }
0x184: {  	v61 =	vor.u32 s22, v18;
	v54 =	vshll.u32 v60, $0x3;
	v60 =	vshll.u32 v62, $0x3;
	v62 =	vld.idx.msk [tilespmem:v55+s10+$0x0], $0xffff;
	[tilespmem:s18+$0xFFFFFF90] =	vst v51;
	v51 =	vmovc v58  }
0x185: {  	v56 =	vor.u32 v24, v31;
	v58 =	vor.u32 s22, v19;
	v54 =	vor.u32 v24, v54;
	v10 =	vld.idx.msk [tilespmem:v10+s13+$0x0], $0xffff;
	[tilespmem:s18+$0xFFFFFFA0] =	vst v53  }
0x186: {  	v31 =	vor.u32 s22, v20;
	v55 =	vor.u32 v24, v60;
	v53 =	vmovc v57;
	v13 =	vld.idx.msk [tilespmem:v13+s13+$0x0], $0xffff;
	[tilespmem:s18+$0xFFFFFFB0] =	vst v52;
	v52 =	vmov v59  }
0x187: {  	v57 =	vor.u32 s22, v21;
	v25 =	vld.idx.msk [tilespmem:v25+s13+$0x0], $0xffff;
	[tilespmem:s18+$0xFFFFFFC0] =	vst v49;
	v49 =	vmov v9  }
0x188: {  	v9 =	vld.idx.msk [tilespmem:v29+s13+$0x0], $0xffff;
	v29 =	vor.u32 s22, v22;
	[tilespmem:s18+$0xFFFFFFD0] =	vst v50;
	v50 =	vmov v8  }
0x189: {  	v8 =	vld.idx.msk [tilespmem:v61+s13+$0x0], $0xffff;
	[tilespmem:s18+$0xFFFFFFE0] =	vst v28  }
0x18a: {  	v28 =	vld.idx.msk [tilespmem:v58+s13+$0x0], $0xffff;
	[tilespmem:s18+$0xFFFFFFF0] =	vst v32  }
0x18b: {  	v10 =	vshll.u32 v10, $0x3;
	v31 =	vld.idx.msk [tilespmem:v31+s13+$0x0], $0xffff;
	[tilespmem:s18+$0x0] =	vst v62;
	s18 =	smov.u32 s19  }
0x18c: {  	v13 =	vshll.u32 v13, $0x3;
	v10 =	vor.u32 v24, v10;
	v32 =	vld.idx.msk [tilespmem:v57+s13+$0x0], $0xffff  }
0x18d: {  	v13 =	vor.u32 v24, v13;
	v25 =	vshll.u32 v25, $0x3;
	v29 =	vld.idx.msk [tilespmem:v29+s13+$0x0], $0xffff  }
0x18e: {  	v9 =	vshll.u32 v9, $0x3;
	v25 =	vor.u32 v24, v25;
	v11 =	vld.idx.msk [tilespmem:v11+s13+$0x0], $0xffff  }
0x18f: {  	v9 =	vor.u32 v24, v9;
	v8 =	vshll.u32 v8, $0x3;
	v12 =	vld.idx.msk [tilespmem:v12+s13+$0x0], $0xffff  }
0x190: {  	v8 =	vor.u32 v24, v8;
	v28 =	vshll.u32 v28, $0x3;
	v14 =	vld.idx.msk [tilespmem:v14+s13+$0x0], $0xffff  }
0x191: {  	v28 =	vor.u32 v24, v28;
	v31 =	vshll.u32 v31, $0x3;
	v16 =	vld.idx.msk [tilespmem:v16+s13+$0x0], $0xffff  }
0x192: {  	v31 =	vor.u32 v24, v31;
	v32 =	vshll.u32 v32, $0x3;
	v13 =	vld.idx.msk [tilespmem:v13+s10+$0x0], $0xffff  }
0x193: {  	v32 =	vor.u32 v24, v32;
	v29 =	vshll.u32 v29, $0x3;
	v25 =	vld.idx.msk [tilespmem:v25+s10+$0x0], $0xffff  }
0x194: {  	v29 =	vor.u32 v24, v29;
	v57 =	vld.idx.msk [tilespmem:v9+s10+$0x0], $0xffff;
	v9 =	vshll.u32 v11, $0x3  }
0x195: {  	v11 =	vld.idx.msk [tilespmem:v8+s10+$0x0], $0xffff;
	v59 =	vor.u32 v24, v9;
	v8 =	vshll.u32 v12, $0x3  }
0x196: {  	v12 =	vld.idx.msk [tilespmem:v28+s10+$0x0], $0xffff;
	v28 =	vor.u32 v24, v8;
	v8 =	vshll.u32 v14, $0x3  }
0x197: {  	v14 =	vld.idx.msk [tilespmem:v31+s10+$0x0], $0xffff;
	v9 =	vor.u32 v24, v8;
	v8 =	vshll.u32 v16, $0x3  }
0x198: {  	s19 =	sadd.s32 $0x100, s19;
	v16 =	vld.idx.msk [tilespmem:v32+s10+$0x0], $0xffff;
	v8 =	vor.u32 v24, v8  }
0x199: {  	v63 =	vld.idx.msk [tilespmem:v29+s10+$0x0], $0xffff;
	[tilespmem:s19+$0xFFFFFF80] =	vst v25  }
0x19a: {  	[tilespmem:s19+$0xFFFFFF10] =	vst v13;
	v61 =	vld.idx.msk [tilespmem:v26+s13+$0x0], $0xffff  }
.Ltmp3:
0x19b: {  	[tilespmem:s19+$0xFFFFFF20] =	vst v57;
	v60 =	vld.idx.msk [tilespmem:v27+s13+$0x0], $0xffff;
	(pc) =	sbr.rel @p0 .LBB2_8-.Ltmp3, $4  }
0x19c: {  	[tilespmem:s19+$0xFFFFFF30] =	vst v11;
	v62 =	vld.idx.msk [tilespmem:v30+s13+$0x0], $0xffff  }
0x19d: {  	[tilespmem:s19+$0xFFFFFF40] =	vst v12;
	v58 =	vld.idx.msk [tilespmem:v10+s10+$0x0], $0xffff  }
0x19e: {  	[tilespmem:s19+$0xFFFFFF50] =	vst v14;
	v57 =	vld.idx.msk [tilespmem:v59+s10+$0x0], $0xffff  }
0x19f: {  	s21 =	sadd.s32 $0x20, s21;
	[tilespmem:s19+$0xFFFFFF60] =	vst v16;
	v59 =	vld.idx.msk [tilespmem:v28+s10+$0x0], $0xffff  }
0x1a0: {  	_ =	sdelay $0x3  }
0x1a1: {  	v10 =	vld.idx.msk [tilespmem:v56+s10+$0x0], $0xffff  }
0x1a2: {  	v11 =	vld.idx.msk [tilespmem:v54+s10+$0x0], $0xffff;
	[tilespmem:s19+$0xFFFFFF70] =	vst v63  }
0x1a3: {  	v12 =	vshll.u32 v61, $0x3;
	v13 =	vld.idx.msk [tilespmem:v55+s10+$0x0], $0xffff;
	[tilespmem:s18+$0xFFFFFF90] =	vst v51  }
0x1a4: {  	v14 =	vshll.u32 v60, $0x3;
	[tilespmem:s18+$0xFFFFFFA0] =	vst v53;
	v12 =	vor.u32 v24, v12  }
0x1a5: {  	[tilespmem:s18+$0xFFFFFFB0] =	vst v52;
	v16 =	vshll.u32 v62, $0x3;
	v14 =	vor.u32 v24, v14  }
0x1a6: {  	[tilespmem:s18+$0xFFFFFFC0] =	vst v49;
	v16 =	vor.u32 v24, v16  }
0x1a7: {  	v9 =	vld.idx.msk [tilespmem:v9+s10+$0x0], $0xffff;
	[tilespmem:s18+$0xFFFFFFD0] =	vst v50  }
0x1a8: {  	v8 =	vld.idx.msk [tilespmem:v8+s10+$0x0], $0xffff;
	[tilespmem:s18+$0xFFFFFFE0] =	vst v10  }
0x1a9: {  	[tilespmem:s18+$0xFFFFFFF0] =	vst v11;
	v62 =	vld.idx.msk [tilespmem:v12+s10+$0x0], $0xffff  }
0x1aa: {  	[tilespmem:s18+$0x0] =	vst v13;
	v63 =	vld.idx.msk [tilespmem:v14+s10+$0x0], $0xffff  }
0x1ab: {  	v12 =	vld.idx.msk [tilespmem:v16+s10+$0x0], $0xffff;
	[tilespmem:s19+$0xFFFFFF90] =	vst v58  }
0x1ac: {  	[tilespmem:s19+$0xFFFFFFA0] =	vst v57  }
0x1ad: {  	[tilespmem:s19+$0xFFFFFFB0] =	vst v59  }
0x1ae: {  	[tilespmem:s19+$0xFFFFFFC0] =	vst v9  }
0x1af: {  	[tilespmem:s19+$0xFFFFFFD0] =	vst v8  }
0x1b0: {  	[tilespmem:s19+$0xFFFFFFE0] =	vst v62  }
0x1b1: {  	[tilespmem:s19+$0xFFFFFFF0] =	vst v63  }
0x1b2: {  	[tilespmem:s19+$0x0] =	vst v12  }
0x1b3: {  	v8 =	vld.idx.msk [tilespmem:v41+s13+$0x0], $0xffff  }
0x1b4: {  	v9 =	vld.idx.msk [tilespmem:v42+s13+$0x0], $0xffff  }
0x1b5: {  	v10 =	vld.idx.msk [tilespmem:v43+s13+$0x0], $0xffff  }
0x1b6: {  	v11 =	vld.idx.msk [tilespmem:v44+s13+$0x0], $0xffff  }
0x1b7: {  	v12 =	vld.idx.msk [tilespmem:v45+s13+$0x0], $0xffff  }
0x1b8: {  	v13 =	vld.idx.msk [tilespmem:v46+s13+$0x0], $0xffff;
	v8 =	vshll.u32 v8, $0x3  }
0x1b9: {  	v14 =	vld.idx.msk [tilespmem:v47+s13+$0x0], $0xffff;
	v9 =	vshll.u32 v9, $0x3;
	v8 =	vor.u32 v24, v8  }
0x1ba: {  	v16 =	vld.idx.msk [tilespmem:v48+s13+$0x0], $0xffff;
	v10 =	vshll.u32 v10, $0x3;
	v9 =	vor.u32 v24, v9  }
0x1bb: {  	v11 =	vshll.u32 v11, $0x3;
	v10 =	vor.u32 v24, v10  }
0x1bc: {  	v12 =	vshll.u32 v12, $0x3;
	v11 =	vor.u32 v24, v11  }
0x1bd: {  	v13 =	vshll.u32 v13, $0x3;
	v12 =	vor.u32 v24, v12  }
0x1be: {  	v14 =	vshll.u32 v14, $0x3;
	v13 =	vor.u32 v24, v13;
	v8 =	vld.idx.msk [tilespmem:v8+s10+$0x0], $0xffff  }
0x1bf: {  	v16 =	vshll.u32 v16, $0x3;
	v14 =	vor.u32 v24, v14;
	v9 =	vld.idx.msk [tilespmem:v9+s10+$0x0], $0xffff  }
0x1c0: {  	v16 =	vor.u32 v24, v16;
	v10 =	vld.idx.msk [tilespmem:v10+s10+$0x0], $0xffff  }
0x1c1: {  	v11 =	vld.idx.msk [tilespmem:v11+s10+$0x0], $0xffff  }
0x1c2: {  	v12 =	vld.idx.msk [tilespmem:v12+s10+$0x0], $0xffff  }
0x1c3: {  	v13 =	vld.idx.msk [tilespmem:v13+s10+$0x0], $0xffff  }
0x1c4: {  	v14 =	vld.idx.msk [tilespmem:v14+s10+$0x0], $0xffff  }
0x1c5: {  	v16 =	vld.idx.msk [tilespmem:v16+s10+$0x0], $0xffff;
	[tilespmem:$0x15520] =	vst v8  }
0x1c6: {  	[tilespmem:$0x15530] =	vst v9  }
0x1c7: {  	[tilespmem:$0x15540] =	vst v10  }
0x1c8: {  	[tilespmem:$0x15550] =	vst v11  }
0x1c9: {  	[tilespmem:$0x15560] =	vst v12  }
0x1ca: {  	[tilespmem:$0x15570] =	vst v13  }
0x1cb: {  	[tilespmem:$0x15580] =	vst v14  }
0x1cc: {  	s17 =	sadd.s32 $0x1, s17;
	[tilespmem:$0x15590] =	vst v16  }
0x1cd: {  	[hbm4b:s7+s3] =	stream.linear.scatter [tilespmem:s15], [sflag:$0x3], $0x4E80, $0x38;
	[tilespmem:$0x155A0] =	vst v63  }
0x1ce: {  	p0 =	sne.s32 s17, s8;
	_ =	swait.ge [sflag:s11], $0x4E80  }
.Ltmp4:
0x1cf: {  	[sflag:s11] =	ssyncset.done $0x0;
	(pc) =	sbr.rel @p0 .LBB2_1-.Ltmp4, $4  }
0x1d0: {  	[sflag:s11] =	ssyncadd.s32 $0xFFFFB180  }
0x1d1: {  	_ =	swait.ge [sflag:s16], $0x4E80  }
0x1d2: {  	[sflag:s16] =	ssyncset.done $0x0  }
0x1d3: {  	[sflag:s16] =	ssyncadd.s32 $0xFFFFB180  }
0x1d4: {  	_ =	sfence.sel $0x180000  }
0x1d5: {  	[bflag:$0x0] =	sbarrier.arrive $0xFFFF  }
0x1d6: {  	p0 =	sne.s32 s0, $0x0;
	_ =	strace $0x90000047  }
0x1d7: {  	s0 =	sadd.s32 @!p0 $0x100000, s2;
	[bflag:$0x2] =	sbarrier.arrive $0xFFFF  }
0x1d8: {  	[sflag:s0] =	ssyncadd.tile.s32 @!p0 $0x1;
	_ =	shalt  }
.Lfunc_end2:
_tile_overlayer_lowered:
.L_overlay_start_2:
0x1d9: {  	(tag) =	ssettag $0x2  }
0x1da: {  	s0 =	rddreg [dreg:$0x0];
	s2 =	stileid.u32  }
0x1db: {  	s1 =	rddreg [dreg:$0x1];
	p0 =	sne.s32 s2, $0x0  }
0x1dc: {  	s3 =	rddreg [dreg:$0x2];
	[bflag:$0x3] =	sbarrier.arrive $0xFFFF;
	s2 =	simm.s32 @!p0 $0x1C03  }
0x1dd: {  	[timem:s3], [sflag:s2] =	dma.local @!p0 [hbm:s0], s1  }
0x1de: {  	s0 =	simm.s32 @!p0 $0x3  }
0x1df: {  	_ =	swait.ge @!p0 [sflag:s0], s1  }
0x1e0: {  	s1 =	ssub.s32 @!p0 $0x0, s1;
	[sflag:s0] =	ssyncset.done @!p0 $0x0  }
0x1e1: {  	[sflag:s0] =	ssyncadd.s32 @!p0 s1  }
0x1e2: {  	[bflag:$0x3] =	sbarrier.arrive $0xFFFF  }
0x1e3: {  	_ =	shalt  }

</sc_bundles>
